<compile_context>
chip_gen: v7x
topology: tpu7x:2x2x1
jax: 0.10.2.dev20260603
libtpu: 0.0.44.dev20260713+nightly
codegen_flags: <defaults>
</compile_context>

<pallas_src>
import functools

import jax
import jax.numpy as jnp
import numpy as np
from jax import lax
from jax.experimental import pallas as pl
from jax.experimental.pallas import tpu as pltpu
from jax.experimental.pallas import tpu_sc as plsc

ALPHA = 0.05
GAMMA = 0.9
C1 = 1.0 - ALPHA
C2 = 1.0 - ALPHA + ALPHA * GAMMA
GOV = ALPHA * GAMMA / C1
AH = 0.5 * ALPHA

L = 16
B = 64
T = 2048
TW = 2 * T
NWORK = 32
EPW = B // NWORK
PEP = B // 16

_LN1 = float(np.log(C1))
_LN2 = float(np.log(C2))


def _lane_bcast(x, idx):
    dn = lax.GatherDimensionNumbers(
        offset_dims=(), collapsed_slice_dims=(0,), start_index_map=(0,))
    return lax.gather(x, idx[:, None], dn, slice_sizes=(1,),
                      mode=lax.GatherScatterMode.PROMISE_IN_BOUNDS,
                      indices_are_sorted=True, unique_indices=False)


def _body(la_hbm, r_hbm, q_hbm,
          la_v, ra_v, rb_v, qa_v, qb_v, ex_v, ex2_v, sh_mem,
          seml, sema, semb, semqa, semqb):
    cid = lax.axis_index("c")
    sid = lax.axis_index("s")
    wid = sid * 2 + cid
    epa = wid * EPW
    epb = epa + 1

    cpa = pltpu.async_copy(r_hbm.at[epa], ra_v, sema)
    cpb = pltpu.async_copy(r_hbm.at[epb], rb_v, semb)
    pep = sid * PEP
    cpl = []
    for i in range(PEP):
        cpl.append(pltpu.async_copy(
            la_hbm.at[pep + i], la_v.at[pl.ds(i * TW, TW)], seml))

    ki = lax.iota(jnp.int32, L)
    kf = ki.astype(jnp.float32)
    cn1 = jnp.exp(kf * jnp.float32(-_LN1))
    cp1 = jnp.exp(kf * jnp.float32(_LN1))
    cs1 = cp1 * jnp.float32(C1)
    cn2 = jnp.exp(kf * jnp.float32(-_LN2))
    cp2 = jnp.exp(kf * jnp.float32(_LN2))
    cs2 = cp2 * jnp.float32(C2)
    idx15 = ki * 0 + (L - 1)
    iev0 = ki * 2
    iod0 = iev0 + 1

    for cp in cpl:
        cp.wait()

    big = jnp.zeros((L,), jnp.float32) - 3.4e38
    small = jnp.zeros((L,), jnp.float32) + 3.4e38

    @plsc.parallel_loop(0, PEP * (TW // (2 * L)), 1, unroll=4,
                        carry=(big, small))
    def pres(k, carry):
        mx, mn = carry
        base = k * (2 * L)
        e0 = plsc.load_gather(la_v, [base + iev0])
        e1 = plsc.load_gather(la_v, [base + iod0])
        dd = e0 - e1
        return jnp.maximum(mx, dd), jnp.minimum(mn, dd)

    mx, mn = pres
    mm_v = ex_v
    mm_v[pl.ds(0, L)] = mx
    mm_v[pl.ds(L, L)] = mn
    pltpu.sync_copy(mm_v.at[pl.ds(0, 2 * L)], sh_mem.at[sid])
    plsc.subcore_barrier()
    pltpu.sync_copy(sh_mem, ex2_v)
    gmx = jnp.zeros((L,), jnp.float32) - 3.4e38
    gmn = jnp.zeros((L,), jnp.float32) + 3.4e38
    for i in range(16):
        gmx = jnp.maximum(gmx, ex2_v[i, pl.ds(0, L)])
        gmn = jnp.minimum(gmn, ex2_v[i, pl.ds(L, L)])
    p0 = jnp.max(gmx) >= 0.0
    p1 = jnp.min(gmn) < 0.0

    ones = jnp.zeros((L,), jnp.float32) + 1.0
    m0 = jnp.where(p0, 2.0 * AH * ones, AH * ones)
    o0 = jnp.where(p0, AH * ones, 0.0 * ones)
    m1 = jnp.where(p1, 2.0 * AH * ones, AH * ones)
    o1 = jnp.where(p1, AH * ones, 0.0 * ones)

    cpa.wait()
    cpb.wait()

    def chunk_ep(r_v, q_v, iev, iod, dc, sc):
        b0 = plsc.load_gather(r_v, [iev])
        b1 = plsc.load_gather(r_v, [iod])
        h0 = b0 * m0 - o0
        h1 = b1 * m1 - o1
        uh = h0 - h1
        vh = h0 + h1
        dh = plsc.cumsum(uh * cn1) * cp1 + dc * cs1
        wh = vh + GOV * jnp.abs(dh - uh)
        sh = plsc.cumsum(wh * cn2) * cp2 + sc * cs2
        plsc.store_scatter(q_v, [iev], sh + dh)
        plsc.store_scatter(q_v, [iod], sh - dh)
        return _lane_bcast(dh, idx15), _lane_bcast(sh, idx15)

    zeros = jnp.zeros((L,), jnp.float32)
    halves = zeros + 0.5

    @plsc.parallel_loop(0, T // L, 1, unroll=2,
                        carry=(zeros, halves, zeros, halves))
    def chunk(j, carry):
        dca, sca, dcb, scb = carry
        base = j * (2 * L)
        iev = base + iev0
        iod = base + iod0
        dca, sca = chunk_ep(ra_v, qa_v, iev, iod, dca, sca)
        dcb, scb = chunk_ep(rb_v, qb_v, iev, iod, dcb, scb)
        return dca, sca, dcb, scb

    pltpu.async_copy(qa_v, q_hbm.at[epa], semqa)
    cpq = pltpu.async_copy(qb_v, q_hbm.at[epb], semqb)
    pltpu.make_async_copy(qa_v, q_hbm.at[epa], semqa).wait()
    cpq.wait()


_sc_all = functools.partial(
    pl.kernel,
    out_type=jax.ShapeDtypeStruct((B, TW), jnp.float32),
    mesh=plsc.VectorSubcoreMesh(core_axis_name="c", subcore_axis_name="s",
                                num_cores=2, num_subcores=16),
    scratch_types=[
        pltpu.VMEM((PEP * TW,), jnp.float32),
        pltpu.VMEM((TW,), jnp.float32),
        pltpu.VMEM((TW,), jnp.float32),
        pltpu.VMEM((TW,), jnp.float32),
        pltpu.VMEM((TW,), jnp.float32),
        pltpu.VMEM((2 * L,), jnp.float32),
        pltpu.VMEM((16, 2 * L), jnp.float32),
        pltpu.VMEM_SHARED((16, 2 * L), jnp.float32),
        pltpu.SemaphoreType.DMA,
        pltpu.SemaphoreType.DMA,
        pltpu.SemaphoreType.DMA,
        pltpu.SemaphoreType.DMA,
        pltpu.SemaphoreType.DMA,
    ],
    compiler_params=pltpu.CompilerParams(needs_layout_passes=False),
)(_body)


def kernel(state, last_action, rewards):
    del state
    la_flat = last_action.reshape(B, TW)
    r_flat = rewards.reshape(B, TW)
    q_flat = _sc_all(la_flat, r_flat)
    return q_flat.reshape(B, T, 2)

# --- scband reference (transcript-rebuilt; emitter-appended) ---
"""Pipeline reference for scband-qagent-42013370089777 (READ-ONLY COPY).

The authoritative reference and input builder live on the scoring server;
editing this copy changes nothing except your own understanding.
"""

import jax, jax.numpy as jnp
import numpy as np

ALPHA = 0.05
GAMMA = 0.9


def setup_inputs(seed: int = 0) -> dict:
    key = jax.random.key(seed)
    k1, k2, k3 = jax.random.split(key, 3)
    state = jax.random.normal(k1, (64, 2048, 2), dtype=jnp.float32)
    last_action = jax.random.uniform(k2, (64, 2048, 2), dtype=jnp.float32)
    rewards = jax.random.uniform(k3, (64, 2048, 2), dtype=jnp.float32)
    return {"state": state, "last_action": last_action, "rewards": rewards}


def reference(state, last_action, rewards):
    # Bandit RPE update (env is None -> RPEupdateBandit path).
    # a = last_action.argmax(axis=-1) is a full [B, T] index array; torch's
    # rewards[seq, i, a] = 2*rewards[seq, i, a] - 1 performs an overwrite-
    # semantics scatter with massive duplication: every action index v that
    # appears anywhere in `a` gets rewards[..., v] -> 2*r - 1 (last write wins,
    # all writes equal). Model this with a presence mask over the action dim.
    a = jnp.argmax(last_action, axis=-1)  # [B, T]
    n_act = rewards.shape[-1]
    present = jnp.stack([jnp.any(a == v) for v in range(n_act)])  # [A] bool
    r2 = jnp.where(present[None, None, :], 2.0 * rewards - 1.0, rewards)

    # Sequential Q update: Qs[seq, i] = Qs[seq, i-1]*(1-alpha)
    #                                   + alpha*(r2[seq, i] + gamma*max(Qs[seq, i-1]))
    # Forward resets Qs to 0.5 (shape mismatch with stored (1,1,2) buffer), and
    # at i=0 the torch code reads Qs[seq, -1] which is still the fresh 0.5 init.
    B = rewards.shape[0]
    q0 = jnp.full((B, n_act), 0.5, dtype=jnp.float32)

    def step(q_prev, r_t):  # q_prev: [B, A], r_t: [B, A]
        q = q_prev * (1.0 - ALPHA) + ALPHA * (
            r_t + GAMMA * jnp.max(q_prev, axis=-1, keepdims=True)
        )
        return q, q

    _, qs = jax.lax.scan(step, q0, jnp.swapaxes(r2, 0, 1))  # [T, B, A]
    Qs = jnp.swapaxes(qs, 0, 1)  # [B, T, A]
    return Qs

if __name__ == "__main__":
    import jax
    _d = setup_inputs()
    print(jax.jit(kernel)(*tuple(_d.values())))

</pallas_src>

<mosaic_0001>
#map = affine_map<(d0, d1) -> (0, 0)>
module attributes {stable_mosaic.version = 14 : i64} {
  func.func @_body(%arg0: i32, %arg1: i32, %arg2: memref<64x4096xf32, #tpu.memory_space<hbm>>, %arg3: memref<64x4096xf32, #tpu.memory_space<hbm>>, %arg4: memref<64x4096xf32, #tpu.memory_space<hbm>>, %arg5: memref<16384xf32, #tpu.memory_space<vmem>>, %arg6: memref<4096xf32, #tpu.memory_space<vmem>>, %arg7: memref<4096xf32, #tpu.memory_space<vmem>>, %arg8: memref<4096xf32, #tpu.memory_space<vmem>>, %arg9: memref<4096xf32, #tpu.memory_space<vmem>>, %arg10: memref<32xf32, #tpu.memory_space<vmem>>, %arg11: memref<16x32xf32, #tpu.memory_space<vmem>>, %arg12: memref<16x32xf32, #tpu.memory_space<vmem_shared>>, %arg13: memref<!tpu.dma_semaphore, #tpu.memory_space<semaphore_mem>>, %arg14: memref<!tpu.dma_semaphore, #tpu.memory_space<semaphore_mem>>, %arg15: memref<!tpu.dma_semaphore, #tpu.memory_space<semaphore_mem>>, %arg16: memref<!tpu.dma_semaphore, #tpu.memory_space<semaphore_mem>>, %arg17: memref<!tpu.dma_semaphore, #tpu.memory_space<semaphore_mem>>) attributes {dimension_semantics = [#tpu.dimension_semantics<core_parallel>, #tpu.dimension_semantics<subcore_parallel>], iteration_bounds = array<i64: 2, 16>, scalar_prefetch = 0 : i64, scratch_operands = 13 : i64, tpu.core_type = #tpu.core_type<sc_vector_subcore>, window_params = [{transform_indices = #map}, {transform_indices = #map}, {transform_indices = #map}]} {
    %mul3A = arith.constant 2 : i32
    %mul3A_0 = arith.muli %arg1, %mul3A : i32
    %add3A = arith.addi %mul3A_0, %arg0 : i32
    %mul3A_1 = arith.constant 2 : i32
    %mul3A_2 = arith.muli %add3A, %mul3A_1 : i32
    %add3A_3 = arith.constant 1 : i32
    %add3A_4 = arith.addi %mul3A_2, %add3A_3 : i32
    %dma_start3A = arith.constant 0 : i32
    %dma_start3A_5 = tpu.memref_slice %arg3[%mul3A_2, %dma_start3A] : memref<64x4096xf32, #tpu.memory_space<hbm>> -> memref<1x4096xf32, #tpu.memory_space<hbm>>
    %dma_start3A_6 = tpu.memref_squeeze %dma_start3A_5 : memref<1x4096xf32, #tpu.memory_space<hbm>> -> memref<4096xf32, #tpu.memory_space<hbm>>
    %dma_start3A_7 = arith.constant 0 : i32
    %dma_start3A_8 = tpu.memref_slice %arg3[%mul3A_2, %dma_start3A_7] : memref<64x4096xf32, #tpu.memory_space<hbm>> -> memref<1x4096xf32, #tpu.memory_space<hbm>>
    %dma_start3A_9 = tpu.memref_squeeze %dma_start3A_8 : memref<1x4096xf32, #tpu.memory_space<hbm>> -> memref<4096xf32, #tpu.memory_space<hbm>>
    tpu.enqueue_dma source(%dma_start3A_9 : memref<4096xf32, #tpu.memory_space<hbm>>) target(%arg6 : memref<4096xf32, #tpu.memory_space<vmem>>) target_semaphore(%arg14 : memref<!tpu.dma_semaphore, #tpu.memory_space<semaphore_mem>>)
    %dma_start3A_10 = arith.constant 0 : i32
    %dma_start3A_11 = tpu.memref_slice %arg3[%add3A_4, %dma_start3A_10] : memref<64x4096xf32, #tpu.memory_space<hbm>> -> memref<1x4096xf32, #tpu.memory_space<hbm>>
    %dma_start3A_12 = tpu.memref_squeeze %dma_start3A_11 : memref<1x4096xf32, #tpu.memory_space<hbm>> -> memref<4096xf32, #tpu.memory_space<hbm>>
    %dma_start3A_13 = arith.constant 0 : i32
    %dma_start3A_14 = tpu.memref_slice %arg3[%add3A_4, %dma_start3A_13] : memref<64x4096xf32, #tpu.memory_space<hbm>> -> memref<1x4096xf32, #tpu.memory_space<hbm>>
    %dma_start3A_15 = tpu.memref_squeeze %dma_start3A_14 : memref<1x4096xf32, #tpu.memory_space<hbm>> -> memref<4096xf32, #tpu.memory_space<hbm>>
    tpu.enqueue_dma source(%dma_start3A_15 : memref<4096xf32, #tpu.memory_space<hbm>>) target(%arg7 : memref<4096xf32, #tpu.memory_space<vmem>>) target_semaphore(%arg15 : memref<!tpu.dma_semaphore, #tpu.memory_space<semaphore_mem>>)
    %mul3A_16 = arith.constant 4 : i32
    %mul3A_17 = arith.muli %arg1, %mul3A_16 : i32
    %add3A_18 = arith.constant 0 : i32
    %add3A_19 = arith.addi %mul3A_17, %add3A_18 : i32
    %dma_start3A_20 = arith.constant 0 : i32
    %dma_start3A_21 = tpu.memref_slice %arg5[%dma_start3A_20] : memref<16384xf32, #tpu.memory_space<vmem>> -> memref<4096xf32, #tpu.memory_space<vmem>>
    %dma_start3A_22 = arith.constant 0 : i32
    %dma_start3A_23 = tpu.memref_slice %arg2[%add3A_19, %dma_start3A_22] : memref<64x4096xf32, #tpu.memory_space<hbm>> -> memref<1x4096xf32, #tpu.memory_space<hbm>>
    %dma_start3A_24 = tpu.memref_squeeze %dma_start3A_23 : memref<1x4096xf32, #tpu.memory_space<hbm>> -> memref<4096xf32, #tpu.memory_space<hbm>>
    %dma_start3A_25 = arith.constant 0 : i32
    %dma_start3A_26 = tpu.memref_slice %arg5[%dma_start3A_25] : memref<16384xf32, #tpu.memory_space<vmem>> -> memref<4096xf32, #tpu.memory_space<vmem>>
    %dma_start3A_27 = arith.constant 0 : i32
    %dma_start3A_28 = tpu.memref_slice %arg2[%add3A_19, %dma_start3A_27] : memref<64x4096xf32, #tpu.memory_space<hbm>> -> memref<1x4096xf32, #tpu.memory_space<hbm>>
    %dma_start3A_29 = tpu.memref_squeeze %dma_start3A_28 : memref<1x4096xf32, #tpu.memory_space<hbm>> -> memref<4096xf32, #tpu.memory_space<hbm>>
    tpu.enqueue_dma source(%dma_start3A_29 : memref<4096xf32, #tpu.memory_space<hbm>>) target(%dma_start3A_26 : memref<4096xf32, #tpu.memory_space<vmem>>) target_semaphore(%arg13 : memref<!tpu.dma_semaphore, #tpu.memory_space<semaphore_mem>>)
    %add3A_30 = arith.constant 1 : i32
    %add3A_31 = arith.addi %mul3A_17, %add3A_30 : i32
    %dma_start3A_32 = arith.constant 4096 : i32
    %dma_start3A_33 = tpu.memref_slice %arg5[%dma_start3A_32] : memref<16384xf32, #tpu.memory_space<vmem>> -> memref<4096xf32, #tpu.memory_space<vmem>>
    %dma_start3A_34 = arith.constant 0 : i32
    %dma_start3A_35 = tpu.memref_slice %arg2[%add3A_31, %dma_start3A_34] : memref<64x4096xf32, #tpu.memory_space<hbm>> -> memref<1x4096xf32, #tpu.memory_space<hbm>>
    %dma_start3A_36 = tpu.memref_squeeze %dma_start3A_35 : memref<1x4096xf32, #tpu.memory_space<hbm>> -> memref<4096xf32, #tpu.memory_space<hbm>>
    %dma_start3A_37 = arith.constant 4096 : i32
    %dma_start3A_38 = tpu.memref_slice %arg5[%dma_start3A_37] : memref<16384xf32, #tpu.memory_space<vmem>> -> memref<4096xf32, #tpu.memory_space<vmem>>
    %dma_start3A_39 = arith.constant 0 : i32
    %dma_start3A_40 = tpu.memref_slice %arg2[%add3A_31, %dma_start3A_39] : memref<64x4096xf32, #tpu.memory_space<hbm>> -> memref<1x4096xf32, #tpu.memory_space<hbm>>
    %dma_start3A_41 = tpu.memref_squeeze %dma_start3A_40 : memref<1x4096xf32, #tpu.memory_space<hbm>> -> memref<4096xf32, #tpu.memory_space<hbm>>
    tpu.enqueue_dma source(%dma_start3A_41 : memref<4096xf32, #tpu.memory_space<hbm>>) target(%dma_start3A_38 : memref<4096xf32, #tpu.memory_space<vmem>>) target_semaphore(%arg13 : memref<!tpu.dma_semaphore, #tpu.memory_space<semaphore_mem>>)
    %add3A_42 = arith.constant 2 : i32
    %add3A_43 = arith.addi %mul3A_17, %add3A_42 : i32
    %dma_start3A_44 = arith.constant 8192 : i32
    %dma_start3A_45 = tpu.memref_slice %arg5[%dma_start3A_44] : memref<16384xf32, #tpu.memory_space<vmem>> -> memref<4096xf32, #tpu.memory_space<vmem>>
    %dma_start3A_46 = arith.constant 0 : i32
    %dma_start3A_47 = tpu.memref_slice %arg2[%add3A_43, %dma_start3A_46] : memref<64x4096xf32, #tpu.memory_space<hbm>> -> memref<1x4096xf32, #tpu.memory_space<hbm>>
    %dma_start3A_48 = tpu.memref_squeeze %dma_start3A_47 : memref<1x4096xf32, #tpu.memory_space<hbm>> -> memref<4096xf32, #tpu.memory_space<hbm>>
    %dma_start3A_49 = arith.constant 8192 : i32
    %dma_start3A_50 = tpu.memref_slice %arg5[%dma_start3A_49] : memref<16384xf32, #tpu.memory_space<vmem>> -> memref<4096xf32, #tpu.memory_space<vmem>>
    %dma_start3A_51 = arith.constant 0 : i32
    %dma_start3A_52 = tpu.memref_slice %arg2[%add3A_43, %dma_start3A_51] : memref<64x4096xf32, #tpu.memory_space<hbm>> -> memref<1x4096xf32, #tpu.memory_space<hbm>>
    %dma_start3A_53 = tpu.memref_squeeze %dma_start3A_52 : memref<1x4096xf32, #tpu.memory_space<hbm>> -> memref<4096xf32, #tpu.memory_space<hbm>>
    tpu.enqueue_dma source(%dma_start3A_53 : memref<4096xf32, #tpu.memory_space<hbm>>) target(%dma_start3A_50 : memref<4096xf32, #tpu.memory_space<vmem>>) target_semaphore(%arg13 : memref<!tpu.dma_semaphore, #tpu.memory_space<semaphore_mem>>)
    %add3A_54 = arith.constant 3 : i32
    %add3A_55 = arith.addi %mul3A_17, %add3A_54 : i32
    %dma_start3A_56 = arith.constant 12288 : i32
    %dma_start3A_57 = tpu.memref_slice %arg5[%dma_start3A_56] : memref<16384xf32, #tpu.memory_space<vmem>> -> memref<4096xf32, #tpu.memory_space<vmem>>
    %dma_start3A_58 = arith.constant 0 : i32
    %dma_start3A_59 = tpu.memref_slice %arg2[%add3A_55, %dma_start3A_58] : memref<64x4096xf32, #tpu.memory_space<hbm>> -> memref<1x4096xf32, #tpu.memory_space<hbm>>
    %dma_start3A_60 = tpu.memref_squeeze %dma_start3A_59 : memref<1x4096xf32, #tpu.memory_space<hbm>> -> memref<4096xf32, #tpu.memory_space<hbm>>
    %dma_start3A_61 = arith.constant 12288 : i32
    %dma_start3A_62 = tpu.memref_slice %arg5[%dma_start3A_61] : memref<16384xf32, #tpu.memory_space<vmem>> -> memref<4096xf32, #tpu.memory_space<vmem>>
    %dma_start3A_63 = arith.constant 0 : i32
    %dma_start3A_64 = tpu.memref_slice %arg2[%add3A_55, %dma_start3A_63] : memref<64x4096xf32, #tpu.memory_space<hbm>> -> memref<1x4096xf32, #tpu.memory_space<hbm>>
    %dma_start3A_65 = tpu.memref_squeeze %dma_start3A_64 : memref<1x4096xf32, #tpu.memory_space<hbm>> -> memref<4096xf32, #tpu.memory_space<hbm>>
    tpu.enqueue_dma source(%dma_start3A_65 : memref<4096xf32, #tpu.memory_space<hbm>>) target(%dma_start3A_62 : memref<4096xf32, #tpu.memory_space<vmem>>) target_semaphore(%arg13 : memref<!tpu.dma_semaphore, #tpu.memory_space<semaphore_mem>>)
    %iota3A = tpu.iota {dimensions = array<i32: 0>} : vector<16xi32>
    %convert_element_type3A = arith.sitofp %iota3A : vector<16xi32> to vector<16xf32>
    %mul3A_66 = arith.constant 0.0512932949 : f32
    %mul3A_67 = vector.broadcast %mul3A_66 : f32 to vector<16xf32>
    %mul3A_68 = arith.mulf %convert_element_type3A, %mul3A_67 : vector<16xf32>
    %exp3A = math.exp %mul3A_68 : vector<16xf32>
    %mul3A_69 = arith.constant -0.0512932949 : f32
    %mul3A_70 = vector.broadcast %mul3A_69 : f32 to vector<16xf32>
    %mul3A_71 = arith.mulf %convert_element_type3A, %mul3A_70 : vector<16xf32>
    %exp3A_72 = math.exp %mul3A_71 : vector<16xf32>
    %mul3A_73 = arith.constant 0.949999988 : f32
    %mul3A_74 = vector.broadcast %mul3A_73 : f32 to vector<16xf32>
    %mul3A_75 = arith.mulf %exp3A_72, %mul3A_74 : vector<16xf32>
    %mul3A_76 = arith.constant 0.00501254201 : f32
    %mul3A_77 = vector.broadcast %mul3A_76 : f32 to vector<16xf32>
    %mul3A_78 = arith.mulf %convert_element_type3A, %mul3A_77 : vector<16xf32>
    %exp3A_79 = math.exp %mul3A_78 : vector<16xf32>
    %mul3A_80 = arith.constant -0.00501254201 : f32
    %mul3A_81 = vector.broadcast %mul3A_80 : f32 to vector<16xf32>
    %mul3A_82 = arith.mulf %convert_element_type3A, %mul3A_81 : vector<16xf32>
    %exp3A_83 = math.exp %mul3A_82 : vector<16xf32>
    %mul3A_84 = arith.constant 9.950000e-01 : f32
    %mul3A_85 = vector.broadcast %mul3A_84 : f32 to vector<16xf32>
    %mul3A_86 = arith.mulf %exp3A_83, %mul3A_85 : vector<16xf32>
    %mul3A_87 = arith.constant 0 : i32
    %mul3A_88 = vector.broadcast %mul3A_87 : i32 to vector<16xi32>
    %mul3A_89 = arith.muli %iota3A, %mul3A_88 : vector<16xi32>
    %add3A_90 = arith.constant 15 : i32
    %add3A_91 = vector.broadcast %add3A_90 : i32 to vector<16xi32>
    %add3A_92 = arith.addi %mul3A_89, %add3A_91 : vector<16xi32>
    %mul3A_93 = arith.constant 2 : i32
    %mul3A_94 = vector.broadcast %mul3A_93 : i32 to vector<16xi32>
    %mul3A_95 = arith.muli %iota3A, %mul3A_94 : vector<16xi32>
    %add3A_96 = arith.constant 1 : i32
    %add3A_97 = vector.broadcast %add3A_96 : i32 to vector<16xi32>
    %add3A_98 = arith.addi %mul3A_95, %add3A_97 : vector<16xi32>
    %dma_wait3A = arith.constant 0 : i32
    %dma_wait3A_99 = tpu.memref_slice %arg5[%dma_wait3A] : memref<16384xf32, #tpu.memory_space<vmem>> -> memref<4096xf32, #tpu.memory_space<vmem>>
    %dma_wait3A_100 = arith.constant 0 : i32
    %dma_wait3A_101 = tpu.memref_slice %arg2[%add3A_19, %dma_wait3A_100] : memref<64x4096xf32, #tpu.memory_space<hbm>> -> memref<1x4096xf32, #tpu.memory_space<hbm>>
    %dma_wait3A_102 = tpu.memref_squeeze %dma_wait3A_101 : memref<1x4096xf32, #tpu.memory_space<hbm>> -> memref<4096xf32, #tpu.memory_space<hbm>>
    %dma_wait3A_103 = arith.constant 0 : i32
    %dma_wait3A_104 = tpu.memref_slice %arg5[%dma_wait3A_103] : memref<16384xf32, #tpu.memory_space<vmem>> -> memref<4096xf32, #tpu.memory_space<vmem>>
    %dma_wait3A_105 = arith.constant 0 : i32
    %dma_wait3A_106 = tpu.memref_slice %arg2[%add3A_19, %dma_wait3A_105] : memref<64x4096xf32, #tpu.memory_space<hbm>> -> memref<1x4096xf32, #tpu.memory_space<hbm>>
    %dma_wait3A_107 = tpu.memref_squeeze %dma_wait3A_106 : memref<1x4096xf32, #tpu.memory_space<hbm>> -> memref<4096xf32, #tpu.memory_space<hbm>>
    tpu.wait_dma2 semaphore(%arg13 : memref<!tpu.dma_semaphore, #tpu.memory_space<semaphore_mem>>) src(%dma_wait3A_107 : memref<4096xf32, #tpu.memory_space<hbm>>) dst(%dma_wait3A_104 : memref<4096xf32, #tpu.memory_space<vmem>>)
    %dma_wait3A_108 = arith.constant 4096 : i32
    %dma_wait3A_109 = tpu.memref_slice %arg5[%dma_wait3A_108] : memref<16384xf32, #tpu.memory_space<vmem>> -> memref<4096xf32, #tpu.memory_space<vmem>>
    %dma_wait3A_110 = arith.constant 0 : i32
    %dma_wait3A_111 = tpu.memref_slice %arg2[%add3A_31, %dma_wait3A_110] : memref<64x4096xf32, #tpu.memory_space<hbm>> -> memref<1x4096xf32, #tpu.memory_space<hbm>>
    %dma_wait3A_112 = tpu.memref_squeeze %dma_wait3A_111 : memref<1x4096xf32, #tpu.memory_space<hbm>> -> memref<4096xf32, #tpu.memory_space<hbm>>
    %dma_wait3A_113 = arith.constant 4096 : i32
    %dma_wait3A_114 = tpu.memref_slice %arg5[%dma_wait3A_113] : memref<16384xf32, #tpu.memory_space<vmem>> -> memref<4096xf32, #tpu.memory_space<vmem>>
    %dma_wait3A_115 = arith.constant 0 : i32
    %dma_wait3A_116 = tpu.memref_slice %arg2[%add3A_31, %dma_wait3A_115] : memref<64x4096xf32, #tpu.memory_space<hbm>> -> memref<1x4096xf32, #tpu.memory_space<hbm>>
    %dma_wait3A_117 = tpu.memref_squeeze %dma_wait3A_116 : memref<1x4096xf32, #tpu.memory_space<hbm>> -> memref<4096xf32, #tpu.memory_space<hbm>>
    tpu.wait_dma2 semaphore(%arg13 : memref<!tpu.dma_semaphore, #tpu.memory_space<semaphore_mem>>) src(%dma_wait3A_117 : memref<4096xf32, #tpu.memory_space<hbm>>) dst(%dma_wait3A_114 : memref<4096xf32, #tpu.memory_space<vmem>>)
    %dma_wait3A_118 = arith.constant 8192 : i32
    %dma_wait3A_119 = tpu.memref_slice %arg5[%dma_wait3A_118] : memref<16384xf32, #tpu.memory_space<vmem>> -> memref<4096xf32, #tpu.memory_space<vmem>>
    %dma_wait3A_120 = arith.constant 0 : i32
    %dma_wait3A_121 = tpu.memref_slice %arg2[%add3A_43, %dma_wait3A_120] : memref<64x4096xf32, #tpu.memory_space<hbm>> -> memref<1x4096xf32, #tpu.memory_space<hbm>>
    %dma_wait3A_122 = tpu.memref_squeeze %dma_wait3A_121 : memref<1x4096xf32, #tpu.memory_space<hbm>> -> memref<4096xf32, #tpu.memory_space<hbm>>
    %dma_wait3A_123 = arith.constant 8192 : i32
    %dma_wait3A_124 = tpu.memref_slice %arg5[%dma_wait3A_123] : memref<16384xf32, #tpu.memory_space<vmem>> -> memref<4096xf32, #tpu.memory_space<vmem>>
    %dma_wait3A_125 = arith.constant 0 : i32
    %dma_wait3A_126 = tpu.memref_slice %arg2[%add3A_43, %dma_wait3A_125] : memref<64x4096xf32, #tpu.memory_space<hbm>> -> memref<1x4096xf32, #tpu.memory_space<hbm>>
    %dma_wait3A_127 = tpu.memref_squeeze %dma_wait3A_126 : memref<1x4096xf32, #tpu.memory_space<hbm>> -> memref<4096xf32, #tpu.memory_space<hbm>>
    tpu.wait_dma2 semaphore(%arg13 : memref<!tpu.dma_semaphore, #tpu.memory_space<semaphore_mem>>) src(%dma_wait3A_127 : memref<4096xf32, #tpu.memory_space<hbm>>) dst(%dma_wait3A_124 : memref<4096xf32, #tpu.memory_space<vmem>>)
    %dma_wait3A_128 = arith.constant 12288 : i32
    %dma_wait3A_129 = tpu.memref_slice %arg5[%dma_wait3A_128] : memref<16384xf32, #tpu.memory_space<vmem>> -> memref<4096xf32, #tpu.memory_space<vmem>>
    %dma_wait3A_130 = arith.constant 0 : i32
    %dma_wait3A_131 = tpu.memref_slice %arg2[%add3A_55, %dma_wait3A_130] : memref<64x4096xf32, #tpu.memory_space<hbm>> -> memref<1x4096xf32, #tpu.memory_space<hbm>>
    %dma_wait3A_132 = tpu.memref_squeeze %dma_wait3A_131 : memref<1x4096xf32, #tpu.memory_space<hbm>> -> memref<4096xf32, #tpu.memory_space<hbm>>
    %dma_wait3A_133 = arith.constant 12288 : i32
    %dma_wait3A_134 = tpu.memref_slice %arg5[%dma_wait3A_133] : memref<16384xf32, #tpu.memory_space<vmem>> -> memref<4096xf32, #tpu.memory_space<vmem>>
    %dma_wait3A_135 = arith.constant 0 : i32
    %dma_wait3A_136 = tpu.memref_slice %arg2[%add3A_55, %dma_wait3A_135] : memref<64x4096xf32, #tpu.memory_space<hbm>> -> memref<1x4096xf32, #tpu.memory_space<hbm>>
    %dma_wait3A_137 = tpu.memref_squeeze %dma_wait3A_136 : memref<1x4096xf32, #tpu.memory_space<hbm>> -> memref<4096xf32, #tpu.memory_space<hbm>>
    tpu.wait_dma2 semaphore(%arg13 : memref<!tpu.dma_semaphore, #tpu.memory_space<semaphore_mem>>) src(%dma_wait3A_137 : memref<4096xf32, #tpu.memory_space<hbm>>) dst(%dma_wait3A_134 : memref<4096xf32, #tpu.memory_space<vmem>>)
    %broadcast_in_dim3A = arith.constant 0.000000e+00 : f32
    %broadcast_in_dim3A_138 = vector.broadcast %broadcast_in_dim3A : f32 to vector<16xf32>
    %sub3A = arith.constant 3.400000e+38 : f32
    %sub3A_139 = vector.broadcast %sub3A : f32 to vector<16xf32>
    %sub3A_140 = arith.subf %broadcast_in_dim3A_138, %sub3A_139 : vector<16xf32>
    %broadcast_in_dim3A_141 = arith.constant 0.000000e+00 : f32
    %broadcast_in_dim3A_142 = vector.broadcast %broadcast_in_dim3A_141 : f32 to vector<16xf32>
    %add3A_143 = arith.constant 3.400000e+38 : f32
    %add3A_144 = vector.broadcast %add3A_143 : f32 to vector<16xf32>
    %add3A_145 = arith.addf %broadcast_in_dim3A_142, %add3A_144 : vector<16xf32>
    %parallel_loop3A = arith.constant 0 : i32
    %parallel_loop3A_146 = arith.constant 512 : i32
    %parallel_loop3A_147 = arith.constant 1 : i32
    %parallel_loop3A_148:2 = scf.for %parallel_loop3A_404 = %parallel_loop3A to %parallel_loop3A_146 step %parallel_loop3A_147 iter_args(%parallel_loop3A_405 = %sub3A_140, %parallel_loop3A_406 = %add3A_145) -> (vector<16xf32>, vector<16xf32>)  : i32 {
      %parallel_loop3A_407 = arith.constant 32 : i32
      %parallel_loop3A_408 = arith.muli %parallel_loop3A_404, %parallel_loop3A_407 : i32
      %parallel_loop3A_409 = vector.broadcast %parallel_loop3A_408 : i32 to vector<16xi32>
      %parallel_loop3A_410 = arith.addi %parallel_loop3A_409, %mul3A_95 : vector<16xi32>
      %parallel_loop3A_411 = tpu.vector_load_idx %arg5[%parallel_loop3A_410] : memref<16384xf32, #tpu.memory_space<vmem>>[vector<16xi32>], vector<16xf32>,
      %parallel_loop3A_412 = vector.broadcast %parallel_loop3A_408 : i32 to vector<16xi32>
      %parallel_loop3A_413 = arith.addi %parallel_loop3A_412, %add3A_98 : vector<16xi32>
      %parallel_loop3A_414 = tpu.vector_load_idx %arg5[%parallel_loop3A_413] : memref<16384xf32, #tpu.memory_space<vmem>>[vector<16xi32>], vector<16xf32>,
      %parallel_loop3A_415 = arith.subf %parallel_loop3A_411, %parallel_loop3A_414 : vector<16xf32>
      %parallel_loop3A_416 = arith.maximumf %parallel_loop3A_405, %parallel_loop3A_415 : vector<16xf32>
      %parallel_loop3A_417 = arith.minimumf %parallel_loop3A_406, %parallel_loop3A_415 : vector<16xf32>
      scf.yield %parallel_loop3A_416, %parallel_loop3A_417 : vector<16xf32>, vector<16xf32>
    } {sc.loop_unroll_factor = 4 : i64, sc.parallel_access}
    %swap3A = arith.constant 0 : index
    %swap3A_149 = tpu.vector_load %arg10[%swap3A] {strides = array<i32>} : memref<32xf32, #tpu.memory_space<vmem>>, vector<16xf32>,
    tpu.vector_store %arg10[%swap3A], %parallel_loop3A_148#0 {strides = array<i32>} : memref<32xf32, #tpu.memory_space<vmem>>, vector<16xf32>,
    %swap3A_150 = arith.constant 16 : index
    %swap3A_151 = tpu.vector_load %arg10[%swap3A_150] {strides = array<i32>} : memref<32xf32, #tpu.memory_space<vmem>>, vector<16xf32>,
    tpu.vector_store %arg10[%swap3A_150], %parallel_loop3A_148#1 {strides = array<i32>} : memref<32xf32, #tpu.memory_space<vmem>>, vector<16xf32>,
    "tpu.region"() ({
      %run_scoped3A = tpu.sem_alloc : memref<!tpu.dma_semaphore, #tpu.memory_space<semaphore_mem>>
      %dma_start3A_404 = arith.constant 0 : i32
      %dma_start3A_405 = tpu.memref_slice %arg10[%dma_start3A_404] : memref<32xf32, #tpu.memory_space<vmem>> -> memref<32xf32, #tpu.memory_space<vmem>>
      %dma_start3A_406 = arith.constant 0 : i32
      %dma_start3A_407 = tpu.memref_slice %arg12[%arg1, %dma_start3A_406] : memref<16x32xf32, #tpu.memory_space<vmem_shared>> -> memref<1x32xf32, #tpu.memory_space<vmem_shared>>
      %dma_start3A_408 = tpu.memref_squeeze %dma_start3A_407 : memref<1x32xf32, #tpu.memory_space<vmem_shared>> -> memref<32xf32, #tpu.memory_space<vmem_shared>>
      %dma_start3A_409 = arith.constant 0 : i32
      %dma_start3A_410 = tpu.memref_slice %arg12[%arg1, %dma_start3A_409] : memref<16x32xf32, #tpu.memory_space<vmem_shared>> -> memref<1x32xf32, #tpu.memory_space<vmem_shared>>
      %dma_start3A_411 = tpu.memref_squeeze %dma_start3A_410 : memref<1x32xf32, #tpu.memory_space<vmem_shared>> -> memref<32xf32, #tpu.memory_space<vmem_shared>>
      %dma_start3A_412 = arith.constant 0 : i32
      %dma_start3A_413 = tpu.memref_slice %arg10[%dma_start3A_412] : memref<32xf32, #tpu.memory_space<vmem>> -> memref<32xf32, #tpu.memory_space<vmem>>
      tpu.enqueue_dma source(%dma_start3A_413 : memref<32xf32, #tpu.memory_space<vmem>>) target(%dma_start3A_411 : memref<32xf32, #tpu.memory_space<vmem_shared>>) target_semaphore(%run_scoped3A : memref<!tpu.dma_semaphore, #tpu.memory_space<semaphore_mem>>)
      %dma_wait3A_414 = arith.constant 0 : i32
      %dma_wait3A_415 = tpu.memref_slice %arg10[%dma_wait3A_414] : memref<32xf32, #tpu.memory_space<vmem>> -> memref<32xf32, #tpu.memory_space<vmem>>
      %dma_wait3A_416 = arith.constant 0 : i32
      %dma_wait3A_417 = tpu.memref_slice %arg12[%arg1, %dma_wait3A_416] : memref<16x32xf32, #tpu.memory_space<vmem_shared>> -> memref<1x32xf32, #tpu.memory_space<vmem_shared>>
      %dma_wait3A_418 = tpu.memref_squeeze %dma_wait3A_417 : memref<1x32xf32, #tpu.memory_space<vmem_shared>> -> memref<32xf32, #tpu.memory_space<vmem_shared>>
      %dma_wait3A_419 = arith.constant 0 : i32
      %dma_wait3A_420 = tpu.memref_slice %arg12[%arg1, %dma_wait3A_419] : memref<16x32xf32, #tpu.memory_space<vmem_shared>> -> memref<1x32xf32, #tpu.memory_space<vmem_shared>>
      %dma_wait3A_421 = tpu.memref_squeeze %dma_wait3A_420 : memref<1x32xf32, #tpu.memory_space<vmem_shared>> -> memref<32xf32, #tpu.memory_space<vmem_shared>>
      %dma_wait3A_422 = arith.constant 0 : i32
      %dma_wait3A_423 = tpu.memref_slice %arg10[%dma_wait3A_422] : memref<32xf32, #tpu.memory_space<vmem>> -> memref<32xf32, #tpu.memory_space<vmem>>
      tpu.wait_dma2 semaphore(%run_scoped3A : memref<!tpu.dma_semaphore, #tpu.memory_space<semaphore_mem>>) src(%dma_wait3A_423 : memref<32xf32, #tpu.memory_space<vmem>>) dst(%dma_wait3A_421 : memref<32xf32, #tpu.memory_space<vmem_shared>>)
      tpu.yield
    }) : () -> ()
    %barrier3A = arith.constant 0 : index
    tpu.barrier barrier_id(%barrier3A)
    "tpu.region"() ({
      %run_scoped3A = tpu.sem_alloc : memref<!tpu.dma_semaphore, #tpu.memory_space<semaphore_mem>>
      tpu.enqueue_dma source(%arg12 : memref<16x32xf32, #tpu.memory_space<vmem_shared>>) target(%arg11 : memref<16x32xf32, #tpu.memory_space<vmem>>) target_semaphore(%run_scoped3A : memref<!tpu.dma_semaphore, #tpu.memory_space<semaphore_mem>>)
      tpu.wait_dma2 semaphore(%run_scoped3A : memref<!tpu.dma_semaphore, #tpu.memory_space<semaphore_mem>>) src(%arg12 : memref<16x32xf32, #tpu.memory_space<vmem_shared>>) dst(%arg11 : memref<16x32xf32, #tpu.memory_space<vmem>>)
      tpu.yield
    }) : () -> ()
    %broadcast_in_dim3A_152 = arith.constant 0.000000e+00 : f32
    %broadcast_in_dim3A_153 = vector.broadcast %broadcast_in_dim3A_152 : f32 to vector<16xf32>
    %sub3A_154 = arith.constant 3.400000e+38 : f32
    %sub3A_155 = vector.broadcast %sub3A_154 : f32 to vector<16xf32>
    %sub3A_156 = arith.subf %broadcast_in_dim3A_153, %sub3A_155 : vector<16xf32>
    %broadcast_in_dim3A_157 = arith.constant 0.000000e+00 : f32
    %broadcast_in_dim3A_158 = vector.broadcast %broadcast_in_dim3A_157 : f32 to vector<16xf32>
    %add3A_159 = arith.constant 3.400000e+38 : f32
    %add3A_160 = vector.broadcast %add3A_159 : f32 to vector<16xf32>
    %add3A_161 = arith.addf %broadcast_in_dim3A_158, %add3A_160 : vector<16xf32>
    %get3A = arith.constant 0 : i32
    %get3A_162 = arith.index_cast %get3A : i32 to index
    %get3A_163 = arith.constant 0 : index
    %get3A_164 = tpu.vector_load %arg11[%get3A_162, %get3A_163] {strides = array<i32>} : memref<16x32xf32, #tpu.memory_space<vmem>>, vector<16xf32>,
    %max3A = arith.maximumf %sub3A_156, %get3A_164 : vector<16xf32>
    %get3A_165 = arith.constant 0 : i32
    %get3A_166 = arith.index_cast %get3A_165 : i32 to index
    %get3A_167 = arith.constant 16 : index
    %get3A_168 = tpu.vector_load %arg11[%get3A_166, %get3A_167] {strides = array<i32>} : memref<16x32xf32, #tpu.memory_space<vmem>>, vector<16xf32>,
    %min3A = arith.minimumf %add3A_161, %get3A_168 : vector<16xf32>
    %get3A_169 = arith.constant 1 : i32
    %get3A_170 = arith.index_cast %get3A_169 : i32 to index
    %get3A_171 = arith.constant 0 : index
    %get3A_172 = tpu.vector_load %arg11[%get3A_170, %get3A_171] {strides = array<i32>} : memref<16x32xf32, #tpu.memory_space<vmem>>, vector<16xf32>,
    %max3A_173 = arith.maximumf %max3A, %get3A_172 : vector<16xf32>
    %get3A_174 = arith.constant 1 : i32
    %get3A_175 = arith.index_cast %get3A_174 : i32 to index
    %get3A_176 = arith.constant 16 : index
    %get3A_177 = tpu.vector_load %arg11[%get3A_175, %get3A_176] {strides = array<i32>} : memref<16x32xf32, #tpu.memory_space<vmem>>, vector<16xf32>,
    %min3A_178 = arith.minimumf %min3A, %get3A_177 : vector<16xf32>
    %get3A_179 = arith.constant 2 : i32
    %get3A_180 = arith.index_cast %get3A_179 : i32 to index
    %get3A_181 = arith.constant 0 : index
    %get3A_182 = tpu.vector_load %arg11[%get3A_180, %get3A_181] {strides = array<i32>} : memref<16x32xf32, #tpu.memory_space<vmem>>, vector<16xf32>,
    %max3A_183 = arith.maximumf %max3A_173, %get3A_182 : vector<16xf32>
    %get3A_184 = arith.constant 2 : i32
    %get3A_185 = arith.index_cast %get3A_184 : i32 to index
    %get3A_186 = arith.constant 16 : index
    %get3A_187 = tpu.vector_load %arg11[%get3A_185, %get3A_186] {strides = array<i32>} : memref<16x32xf32, #tpu.memory_space<vmem>>, vector<16xf32>,
    %min3A_188 = arith.minimumf %min3A_178, %get3A_187 : vector<16xf32>
    %get3A_189 = arith.constant 3 : i32
    %get3A_190 = arith.index_cast %get3A_189 : i32 to index
    %get3A_191 = arith.constant 0 : index
    %get3A_192 = tpu.vector_load %arg11[%get3A_190, %get3A_191] {strides = array<i32>} : memref<16x32xf32, #tpu.memory_space<vmem>>, vector<16xf32>,
    %max3A_193 = arith.maximumf %max3A_183, %get3A_192 : vector<16xf32>
    %get3A_194 = arith.constant 3 : i32
    %get3A_195 = arith.index_cast %get3A_194 : i32 to index
    %get3A_196 = arith.constant 16 : index
    %get3A_197 = tpu.vector_load %arg11[%get3A_195, %get3A_196] {strides = array<i32>} : memref<16x32xf32, #tpu.memory_space<vmem>>, vector<16xf32>,
    %min3A_198 = arith.minimumf %min3A_188, %get3A_197 : vector<16xf32>
    %get3A_199 = arith.constant 4 : i32
    %get3A_200 = arith.index_cast %get3A_199 : i32 to index
    %get3A_201 = arith.constant 0 : index
    %get3A_202 = tpu.vector_load %arg11[%get3A_200, %get3A_201] {strides = array<i32>} : memref<16x32xf32, #tpu.memory_space<vmem>>, vector<16xf32>,
    %max3A_203 = arith.maximumf %max3A_193, %get3A_202 : vector<16xf32>
    %get3A_204 = arith.constant 4 : i32
    %get3A_205 = arith.index_cast %get3A_204 : i32 to index
    %get3A_206 = arith.constant 16 : index
    %get3A_207 = tpu.vector_load %arg11[%get3A_205, %get3A_206] {strides = array<i32>} : memref<16x32xf32, #tpu.memory_space<vmem>>, vector<16xf32>,
    %min3A_208 = arith.minimumf %min3A_198, %get3A_207 : vector<16xf32>
    %get3A_209 = arith.constant 5 : i32
    %get3A_210 = arith.index_cast %get3A_209 : i32 to index
    %get3A_211 = arith.constant 0 : index
    %get3A_212 = tpu.vector_load %arg11[%get3A_210, %get3A_211] {strides = array<i32>} : memref<16x32xf32, #tpu.memory_space<vmem>>, vector<16xf32>,
    %max3A_213 = arith.maximumf %max3A_203, %get3A_212 : vector<16xf32>
    %get3A_214 = arith.constant 5 : i32
    %get3A_215 = arith.index_cast %get3A_214 : i32 to index
    %get3A_216 = arith.constant 16 : index
    %get3A_217 = tpu.vector_load %arg11[%get3A_215, %get3A_216] {strides = array<i32>} : memref<16x32xf32, #tpu.memory_space<vmem>>, vector<16xf32>,
    %min3A_218 = arith.minimumf %min3A_208, %get3A_217 : vector<16xf32>
    %get3A_219 = arith.constant 6 : i32
    %get3A_220 = arith.index_cast %get3A_219 : i32 to index
    %get3A_221 = arith.constant 0 : index
    %get3A_222 = tpu.vector_load %arg11[%get3A_220, %get3A_221] {strides = array<i32>} : memref<16x32xf32, #tpu.memory_space<vmem>>, vector<16xf32>,
    %max3A_223 = arith.maximumf %max3A_213, %get3A_222 : vector<16xf32>
    %get3A_224 = arith.constant 6 : i32
    %get3A_225 = arith.index_cast %get3A_224 : i32 to index
    %get3A_226 = arith.constant 16 : index
    %get3A_227 = tpu.vector_load %arg11[%get3A_225, %get3A_226] {strides = array<i32>} : memref<16x32xf32, #tpu.memory_space<vmem>>, vector<16xf32>,
    %min3A_228 = arith.minimumf %min3A_218, %get3A_227 : vector<16xf32>
    %get3A_229 = arith.constant 7 : i32
    %get3A_230 = arith.index_cast %get3A_229 : i32 to index
    %get3A_231 = arith.constant 0 : index
    %get3A_232 = tpu.vector_load %arg11[%get3A_230, %get3A_231] {strides = array<i32>} : memref<16x32xf32, #tpu.memory_space<vmem>>, vector<16xf32>,
    %max3A_233 = arith.maximumf %max3A_223, %get3A_232 : vector<16xf32>
    %get3A_234 = arith.constant 7 : i32
    %get3A_235 = arith.index_cast %get3A_234 : i32 to index
    %get3A_236 = arith.constant 16 : index
    %get3A_237 = tpu.vector_load %arg11[%get3A_235, %get3A_236] {strides = array<i32>} : memref<16x32xf32, #tpu.memory_space<vmem>>, vector<16xf32>,
    %min3A_238 = arith.minimumf %min3A_228, %get3A_237 : vector<16xf32>
    %get3A_239 = arith.constant 8 : i32
    %get3A_240 = arith.index_cast %get3A_239 : i32 to index
    %get3A_241 = arith.constant 0 : index
    %get3A_242 = tpu.vector_load %arg11[%get3A_240, %get3A_241] {strides = array<i32>} : memref<16x32xf32, #tpu.memory_space<vmem>>, vector<16xf32>,
    %max3A_243 = arith.maximumf %max3A_233, %get3A_242 : vector<16xf32>
    %get3A_244 = arith.constant 8 : i32
    %get3A_245 = arith.index_cast %get3A_244 : i32 to index
    %get3A_246 = arith.constant 16 : index
    %get3A_247 = tpu.vector_load %arg11[%get3A_245, %get3A_246] {strides = array<i32>} : memref<16x32xf32, #tpu.memory_space<vmem>>, vector<16xf32>,
    %min3A_248 = arith.minimumf %min3A_238, %get3A_247 : vector<16xf32>
    %get3A_249 = arith.constant 9 : i32
    %get3A_250 = arith.index_cast %get3A_249 : i32 to index
    %get3A_251 = arith.constant 0 : index
    %get3A_252 = tpu.vector_load %arg11[%get3A_250, %get3A_251] {strides = array<i32>} : memref<16x32xf32, #tpu.memory_space<vmem>>, vector<16xf32>,
    %max3A_253 = arith.maximumf %max3A_243, %get3A_252 : vector<16xf32>
    %get3A_254 = arith.constant 9 : i32
    %get3A_255 = arith.index_cast %get3A_254 : i32 to index
    %get3A_256 = arith.constant 16 : index
    %get3A_257 = tpu.vector_load %arg11[%get3A_255, %get3A_256] {strides = array<i32>} : memref<16x32xf32, #tpu.memory_space<vmem>>, vector<16xf32>,
    %min3A_258 = arith.minimumf %min3A_248, %get3A_257 : vector<16xf32>
    %get3A_259 = arith.constant 10 : i32
    %get3A_260 = arith.index_cast %get3A_259 : i32 to index
    %get3A_261 = arith.constant 0 : index
    %get3A_262 = tpu.vector_load %arg11[%get3A_260, %get3A_261] {strides = array<i32>} : memref<16x32xf32, #tpu.memory_space<vmem>>, vector<16xf32>,
    %max3A_263 = arith.maximumf %max3A_253, %get3A_262 : vector<16xf32>
    %get3A_264 = arith.constant 10 : i32
    %get3A_265 = arith.index_cast %get3A_264 : i32 to index
    %get3A_266 = arith.constant 16 : index
    %get3A_267 = tpu.vector_load %arg11[%get3A_265, %get3A_266] {strides = array<i32>} : memref<16x32xf32, #tpu.memory_space<vmem>>, vector<16xf32>,
    %min3A_268 = arith.minimumf %min3A_258, %get3A_267 : vector<16xf32>
    %get3A_269 = arith.constant 11 : i32
    %get3A_270 = arith.index_cast %get3A_269 : i32 to index
    %get3A_271 = arith.constant 0 : index
    %get3A_272 = tpu.vector_load %arg11[%get3A_270, %get3A_271] {strides = array<i32>} : memref<16x32xf32, #tpu.memory_space<vmem>>, vector<16xf32>,
    %max3A_273 = arith.maximumf %max3A_263, %get3A_272 : vector<16xf32>
    %get3A_274 = arith.constant 11 : i32
    %get3A_275 = arith.index_cast %get3A_274 : i32 to index
    %get3A_276 = arith.constant 16 : index
    %get3A_277 = tpu.vector_load %arg11[%get3A_275, %get3A_276] {strides = array<i32>} : memref<16x32xf32, #tpu.memory_space<vmem>>, vector<16xf32>,
    %min3A_278 = arith.minimumf %min3A_268, %get3A_277 : vector<16xf32>
    %get3A_279 = arith.constant 12 : i32
    %get3A_280 = arith.index_cast %get3A_279 : i32 to index
    %get3A_281 = arith.constant 0 : index
    %get3A_282 = tpu.vector_load %arg11[%get3A_280, %get3A_281] {strides = array<i32>} : memref<16x32xf32, #tpu.memory_space<vmem>>, vector<16xf32>,
    %max3A_283 = arith.maximumf %max3A_273, %get3A_282 : vector<16xf32>
    %get3A_284 = arith.constant 12 : i32
    %get3A_285 = arith.index_cast %get3A_284 : i32 to index
    %get3A_286 = arith.constant 16 : index
    %get3A_287 = tpu.vector_load %arg11[%get3A_285, %get3A_286] {strides = array<i32>} : memref<16x32xf32, #tpu.memory_space<vmem>>, vector<16xf32>,
    %min3A_288 = arith.minimumf %min3A_278, %get3A_287 : vector<16xf32>
    %get3A_289 = arith.constant 13 : i32
    %get3A_290 = arith.index_cast %get3A_289 : i32 to index
    %get3A_291 = arith.constant 0 : index
    %get3A_292 = tpu.vector_load %arg11[%get3A_290, %get3A_291] {strides = array<i32>} : memref<16x32xf32, #tpu.memory_space<vmem>>, vector<16xf32>,
    %max3A_293 = arith.maximumf %max3A_283, %get3A_292 : vector<16xf32>
    %get3A_294 = arith.constant 13 : i32
    %get3A_295 = arith.index_cast %get3A_294 : i32 to index
    %get3A_296 = arith.constant 16 : index
    %get3A_297 = tpu.vector_load %arg11[%get3A_295, %get3A_296] {strides = array<i32>} : memref<16x32xf32, #tpu.memory_space<vmem>>, vector<16xf32>,
    %min3A_298 = arith.minimumf %min3A_288, %get3A_297 : vector<16xf32>
    %get3A_299 = arith.constant 14 : i32
    %get3A_300 = arith.index_cast %get3A_299 : i32 to index
    %get3A_301 = arith.constant 0 : index
    %get3A_302 = tpu.vector_load %arg11[%get3A_300, %get3A_301] {strides = array<i32>} : memref<16x32xf32, #tpu.memory_space<vmem>>, vector<16xf32>,
    %max3A_303 = arith.maximumf %max3A_293, %get3A_302 : vector<16xf32>
    %get3A_304 = arith.constant 14 : i32
    %get3A_305 = arith.index_cast %get3A_304 : i32 to index
    %get3A_306 = arith.constant 16 : index
    %get3A_307 = tpu.vector_load %arg11[%get3A_305, %get3A_306] {strides = array<i32>} : memref<16x32xf32, #tpu.memory_space<vmem>>, vector<16xf32>,
    %min3A_308 = arith.minimumf %min3A_298, %get3A_307 : vector<16xf32>
    %get3A_309 = arith.constant 15 : i32
    %get3A_310 = arith.index_cast %get3A_309 : i32 to index
    %get3A_311 = arith.constant 0 : index
    %get3A_312 = tpu.vector_load %arg11[%get3A_310, %get3A_311] {strides = array<i32>} : memref<16x32xf32, #tpu.memory_space<vmem>>, vector<16xf32>,
    %max3A_313 = arith.maximumf %max3A_303, %get3A_312 : vector<16xf32>
    %get3A_314 = arith.constant 15 : i32
    %get3A_315 = arith.index_cast %get3A_314 : i32 to index
    %get3A_316 = arith.constant 16 : index
    %get3A_317 = tpu.vector_load %arg11[%get3A_315, %get3A_316] {strides = array<i32>} : memref<16x32xf32, #tpu.memory_space<vmem>>, vector<16xf32>,
    %min3A_318 = arith.minimumf %min3A_308, %get3A_317 : vector<16xf32>
    %reduce_max3A = arith.constant true
    %reduce_max3A_319 = vector.broadcast %reduce_max3A : i1 to vector<16xi1>
    %reduce_max3A_320 = tpu.scan <max>, %max3A_313 masked %reduce_max3A_319 : vector<16xf32>, vector<16xi1> -> vector<16xf32>
    %reduce_max3A_321 = vector.extract %reduce_max3A_320[15] : f32 from vector<16xf32>
    %ge3A = arith.constant 0.000000e+00 : f32
    %ge3A_322 = arith.cmpf oge, %reduce_max3A_321, %ge3A : f32
    %reduce_min3A = arith.constant true
    %reduce_min3A_323 = vector.broadcast %reduce_min3A : i1 to vector<16xi1>
    %reduce_min3A_324 = tpu.scan <min>, %min3A_318 masked %reduce_min3A_323 : vector<16xf32>, vector<16xi1> -> vector<16xf32>
    %reduce_min3A_325 = vector.extract %reduce_min3A_324[15] : f32 from vector<16xf32>
    %lt3A = arith.constant 0.000000e+00 : f32
    %lt3A_326 = arith.cmpf olt, %reduce_min3A_325, %lt3A : f32
    %broadcast_in_dim3A_327 = arith.constant 0.000000e+00 : f32
    %broadcast_in_dim3A_328 = vector.broadcast %broadcast_in_dim3A_327 : f32 to vector<16xf32>
    %add3A_329 = arith.constant 1.000000e+00 : f32
    %add3A_330 = vector.broadcast %add3A_329 : f32 to vector<16xf32>
    %add3A_331 = arith.addf %broadcast_in_dim3A_328, %add3A_330 : vector<16xf32>
    %mul3A_332 = arith.constant 5.000000e-02 : f32
    %mul3A_333 = vector.broadcast %mul3A_332 : f32 to vector<16xf32>
    %mul3A_334 = arith.mulf %mul3A_333, %add3A_331 : vector<16xf32>
    %mul3A_335 = arith.constant 2.500000e-02 : f32
    %mul3A_336 = vector.broadcast %mul3A_335 : f32 to vector<16xf32>
    %mul3A_337 = arith.mulf %mul3A_336, %add3A_331 : vector<16xf32>
    %select_n3A = arith.select %ge3A_322, %mul3A_334, %mul3A_337 : vector<16xf32>
    %mul3A_338 = arith.constant 2.500000e-02 : f32
    %mul3A_339 = vector.broadcast %mul3A_338 : f32 to vector<16xf32>
    %mul3A_340 = arith.mulf %mul3A_339, %add3A_331 : vector<16xf32>
    %mul3A_341 = arith.constant 0.000000e+00 : f32
    %mul3A_342 = vector.broadcast %mul3A_341 : f32 to vector<16xf32>
    %mul3A_343 = arith.mulf %mul3A_342, %add3A_331 : vector<16xf32>
    %select_n3A_344 = arith.select %ge3A_322, %mul3A_340, %mul3A_343 : vector<16xf32>
    %mul3A_345 = arith.constant 5.000000e-02 : f32
    %mul3A_346 = vector.broadcast %mul3A_345 : f32 to vector<16xf32>
    %mul3A_347 = arith.mulf %mul3A_346, %add3A_331 : vector<16xf32>
    %mul3A_348 = arith.constant 2.500000e-02 : f32
    %mul3A_349 = vector.broadcast %mul3A_348 : f32 to vector<16xf32>
    %mul3A_350 = arith.mulf %mul3A_349, %add3A_331 : vector<16xf32>
    %select_n3A_351 = arith.select %lt3A_326, %mul3A_347, %mul3A_350 : vector<16xf32>
    %mul3A_352 = arith.constant 2.500000e-02 : f32
    %mul3A_353 = vector.broadcast %mul3A_352 : f32 to vector<16xf32>
    %mul3A_354 = arith.mulf %mul3A_353, %add3A_331 : vector<16xf32>
    %mul3A_355 = arith.constant 0.000000e+00 : f32
    %mul3A_356 = vector.broadcast %mul3A_355 : f32 to vector<16xf32>
    %mul3A_357 = arith.mulf %mul3A_356, %add3A_331 : vector<16xf32>
    %select_n3A_358 = arith.select %lt3A_326, %mul3A_354, %mul3A_357 : vector<16xf32>
    %dma_wait3A_359 = arith.constant 0 : i32
    %dma_wait3A_360 = tpu.memref_slice %arg3[%mul3A_2, %dma_wait3A_359] : memref<64x4096xf32, #tpu.memory_space<hbm>> -> memref<1x4096xf32, #tpu.memory_space<hbm>>
    %dma_wait3A_361 = tpu.memref_squeeze %dma_wait3A_360 : memref<1x4096xf32, #tpu.memory_space<hbm>> -> memref<4096xf32, #tpu.memory_space<hbm>>
    %dma_wait3A_362 = arith.constant 0 : i32
    %dma_wait3A_363 = tpu.memref_slice %arg3[%mul3A_2, %dma_wait3A_362] : memref<64x4096xf32, #tpu.memory_space<hbm>> -> memref<1x4096xf32, #tpu.memory_space<hbm>>
    %dma_wait3A_364 = tpu.memref_squeeze %dma_wait3A_363 : memref<1x4096xf32, #tpu.memory_space<hbm>> -> memref<4096xf32, #tpu.memory_space<hbm>>
    tpu.wait_dma2 semaphore(%arg14 : memref<!tpu.dma_semaphore, #tpu.memory_space<semaphore_mem>>) src(%dma_wait3A_364 : memref<4096xf32, #tpu.memory_space<hbm>>) dst(%arg6 : memref<4096xf32, #tpu.memory_space<vmem>>)
    %dma_wait3A_365 = arith.constant 0 : i32
    %dma_wait3A_366 = tpu.memref_slice %arg3[%add3A_4, %dma_wait3A_365] : memref<64x4096xf32, #tpu.memory_space<hbm>> -> memref<1x4096xf32, #tpu.memory_space<hbm>>
    %dma_wait3A_367 = tpu.memref_squeeze %dma_wait3A_366 : memref<1x4096xf32, #tpu.memory_space<hbm>> -> memref<4096xf32, #tpu.memory_space<hbm>>
    %dma_wait3A_368 = arith.constant 0 : i32
    %dma_wait3A_369 = tpu.memref_slice %arg3[%add3A_4, %dma_wait3A_368] : memref<64x4096xf32, #tpu.memory_space<hbm>> -> memref<1x4096xf32, #tpu.memory_space<hbm>>
    %dma_wait3A_370 = tpu.memref_squeeze %dma_wait3A_369 : memref<1x4096xf32, #tpu.memory_space<hbm>> -> memref<4096xf32, #tpu.memory_space<hbm>>
    tpu.wait_dma2 semaphore(%arg15 : memref<!tpu.dma_semaphore, #tpu.memory_space<semaphore_mem>>) src(%dma_wait3A_370 : memref<4096xf32, #tpu.memory_space<hbm>>) dst(%arg7 : memref<4096xf32, #tpu.memory_space<vmem>>)
    %broadcast_in_dim3A_371 = arith.constant 0.000000e+00 : f32
    %broadcast_in_dim3A_372 = vector.broadcast %broadcast_in_dim3A_371 : f32 to vector<16xf32>
    %add3A_373 = arith.constant 5.000000e-01 : f32
    %add3A_374 = vector.broadcast %add3A_373 : f32 to vector<16xf32>
    %add3A_375 = arith.addf %broadcast_in_dim3A_372, %add3A_374 : vector<16xf32>
    %parallel_loop3A_376 = arith.constant 0 : i32
    %parallel_loop3A_377 = arith.constant 128 : i32
    %parallel_loop3A_378 = arith.constant 1 : i32
    %parallel_loop3A_379:4 = scf.for %parallel_loop3A_404 = %parallel_loop3A_376 to %parallel_loop3A_377 step %parallel_loop3A_378 iter_args(%parallel_loop3A_405 = %broadcast_in_dim3A_372, %parallel_loop3A_406 = %add3A_375, %parallel_loop3A_407 = %broadcast_in_dim3A_372, %parallel_loop3A_408 = %add3A_375) -> (vector<16xf32>, vector<16xf32>, vector<16xf32>, vector<16xf32>)  : i32 {
      %parallel_loop3A_409 = arith.constant 32 : i32
      %parallel_loop3A_410 = arith.muli %parallel_loop3A_404, %parallel_loop3A_409 : i32
      %parallel_loop3A_411 = vector.broadcast %parallel_loop3A_410 : i32 to vector<16xi32>
      %parallel_loop3A_412 = arith.addi %parallel_loop3A_411, %mul3A_95 : vector<16xi32>
      %parallel_loop3A_413 = vector.broadcast %parallel_loop3A_410 : i32 to vector<16xi32>
      %parallel_loop3A_414 = arith.addi %parallel_loop3A_413, %add3A_98 : vector<16xi32>
      %parallel_loop3A_415 = tpu.vector_load_idx %arg6[%parallel_loop3A_412] : memref<4096xf32, #tpu.memory_space<vmem>>[vector<16xi32>], vector<16xf32>,
      %parallel_loop3A_416 = tpu.vector_load_idx %arg6[%parallel_loop3A_414] : memref<4096xf32, #tpu.memory_space<vmem>>[vector<16xi32>], vector<16xf32>,
      %parallel_loop3A_417 = arith.mulf %parallel_loop3A_415, %select_n3A : vector<16xf32>
      %parallel_loop3A_418 = arith.subf %parallel_loop3A_417, %select_n3A_344 : vector<16xf32>
      %parallel_loop3A_419 = arith.mulf %parallel_loop3A_416, %select_n3A_351 : vector<16xf32>
      %parallel_loop3A_420 = arith.subf %parallel_loop3A_419, %select_n3A_358 : vector<16xf32>
      %parallel_loop3A_421 = arith.subf %parallel_loop3A_418, %parallel_loop3A_420 : vector<16xf32>
      %parallel_loop3A_422 = arith.addf %parallel_loop3A_418, %parallel_loop3A_420 : vector<16xf32>
      %parallel_loop3A_423 = arith.mulf %parallel_loop3A_421, %exp3A : vector<16xf32>
      %parallel_loop3A_424 = arith.constant true
      %parallel_loop3A_425 = vector.broadcast %parallel_loop3A_424 : i1 to vector<16xi1>
      %parallel_loop3A_426 = tpu.scan <sum>, %parallel_loop3A_423 masked %parallel_loop3A_425 : vector<16xf32>, vector<16xi1> -> vector<16xf32>
      %parallel_loop3A_427 = arith.mulf %parallel_loop3A_426, %exp3A_72 : vector<16xf32>
      %parallel_loop3A_428 = arith.mulf %parallel_loop3A_405, %mul3A_75 : vector<16xf32>
      %parallel_loop3A_429 = arith.addf %parallel_loop3A_427, %parallel_loop3A_428 : vector<16xf32>
      %parallel_loop3A_430 = arith.subf %parallel_loop3A_429, %parallel_loop3A_421 : vector<16xf32>
      %parallel_loop3A_431 = math.absf %parallel_loop3A_430 : vector<16xf32>
      %parallel_loop3A_432 = arith.constant 0.0473684222 : f32
      %parallel_loop3A_433 = vector.broadcast %parallel_loop3A_432 : f32 to vector<16xf32>
      %parallel_loop3A_434 = arith.mulf %parallel_loop3A_433, %parallel_loop3A_431 : vector<16xf32>
      %parallel_loop3A_435 = arith.addf %parallel_loop3A_422, %parallel_loop3A_434 : vector<16xf32>
      %parallel_loop3A_436 = arith.mulf %parallel_loop3A_435, %exp3A_79 : vector<16xf32>
      %parallel_loop3A_437 = arith.constant true
      %parallel_loop3A_438 = vector.broadcast %parallel_loop3A_437 : i1 to vector<16xi1>
      %parallel_loop3A_439 = tpu.scan <sum>, %parallel_loop3A_436 masked %parallel_loop3A_438 : vector<16xf32>, vector<16xi1> -> vector<16xf32>
      %parallel_loop3A_440 = arith.mulf %parallel_loop3A_439, %exp3A_83 : vector<16xf32>
      %parallel_loop3A_441 = arith.mulf %parallel_loop3A_406, %mul3A_86 : vector<16xf32>
      %parallel_loop3A_442 = arith.addf %parallel_loop3A_440, %parallel_loop3A_441 : vector<16xf32>
      %parallel_loop3A_443 = arith.addf %parallel_loop3A_442, %parallel_loop3A_429 : vector<16xf32>
      tpu.vector_store_idx %arg8[%parallel_loop3A_412], %parallel_loop3A_443 : memref<4096xf32, #tpu.memory_space<vmem>>[vector<16xi32>], vector<16xf32>,
      %parallel_loop3A_444 = arith.subf %parallel_loop3A_442, %parallel_loop3A_429 : vector<16xf32>
      tpu.vector_store_idx %arg8[%parallel_loop3A_414], %parallel_loop3A_444 : memref<4096xf32, #tpu.memory_space<vmem>>[vector<16xi32>], vector<16xf32>,
      %parallel_loop3A_445 = vector.shape_cast %add3A_92 : vector<16xi32> to vector<16x1xi32>
      %parallel_loop3A_446 = vector.shape_cast %parallel_loop3A_445 : vector<16x1xi32> to vector<16xi32>
      %parallel_loop3A_447 = tpu.dynamic_gather %parallel_loop3A_429[%parallel_loop3A_446] in [0] : vector<16xf32>, vector<16xi32> -> vector<16xf32>
      %parallel_loop3A_448 = vector.shape_cast %add3A_92 : vector<16xi32> to vector<16x1xi32>
      %parallel_loop3A_449 = vector.shape_cast %parallel_loop3A_448 : vector<16x1xi32> to vector<16xi32>
      %parallel_loop3A_450 = tpu.dynamic_gather %parallel_loop3A_442[%parallel_loop3A_449] in [0] : vector<16xf32>, vector<16xi32> -> vector<16xf32>
      %parallel_loop3A_451 = tpu.vector_load_idx %arg7[%parallel_loop3A_412] : memref<4096xf32, #tpu.memory_space<vmem>>[vector<16xi32>], vector<16xf32>,
      %parallel_loop3A_452 = tpu.vector_load_idx %arg7[%parallel_loop3A_414] : memref<4096xf32, #tpu.memory_space<vmem>>[vector<16xi32>], vector<16xf32>,
      %parallel_loop3A_453 = arith.mulf %parallel_loop3A_451, %select_n3A : vector<16xf32>
      %parallel_loop3A_454 = arith.subf %parallel_loop3A_453, %select_n3A_344 : vector<16xf32>
      %parallel_loop3A_455 = arith.mulf %parallel_loop3A_452, %select_n3A_351 : vector<16xf32>
      %parallel_loop3A_456 = arith.subf %parallel_loop3A_455, %select_n3A_358 : vector<16xf32>
      %parallel_loop3A_457 = arith.subf %parallel_loop3A_454, %parallel_loop3A_456 : vector<16xf32>
      %parallel_loop3A_458 = arith.addf %parallel_loop3A_454, %parallel_loop3A_456 : vector<16xf32>
      %parallel_loop3A_459 = arith.mulf %parallel_loop3A_457, %exp3A : vector<16xf32>
      %parallel_loop3A_460 = arith.constant true
      %parallel_loop3A_461 = vector.broadcast %parallel_loop3A_460 : i1 to vector<16xi1>
      %parallel_loop3A_462 = tpu.scan <sum>, %parallel_loop3A_459 masked %parallel_loop3A_461 : vector<16xf32>, vector<16xi1> -> vector<16xf32>
      %parallel_loop3A_463 = arith.mulf %parallel_loop3A_462, %exp3A_72 : vector<16xf32>
      %parallel_loop3A_464 = arith.mulf %parallel_loop3A_407, %mul3A_75 : vector<16xf32>
      %parallel_loop3A_465 = arith.addf %parallel_loop3A_463, %parallel_loop3A_464 : vector<16xf32>
      %parallel_loop3A_466 = arith.subf %parallel_loop3A_465, %parallel_loop3A_457 : vector<16xf32>
      %parallel_loop3A_467 = math.absf %parallel_loop3A_466 : vector<16xf32>
      %parallel_loop3A_468 = arith.constant 0.0473684222 : f32
      %parallel_loop3A_469 = vector.broadcast %parallel_loop3A_468 : f32 to vector<16xf32>
      %parallel_loop3A_470 = arith.mulf %parallel_loop3A_469, %parallel_loop3A_467 : vector<16xf32>
      %parallel_loop3A_471 = arith.addf %parallel_loop3A_458, %parallel_loop3A_470 : vector<16xf32>
      %parallel_loop3A_472 = arith.mulf %parallel_loop3A_471, %exp3A_79 : vector<16xf32>
      %parallel_loop3A_473 = arith.constant true
      %parallel_loop3A_474 = vector.broadcast %parallel_loop3A_473 : i1 to vector<16xi1>
      %parallel_loop3A_475 = tpu.scan <sum>, %parallel_loop3A_472 masked %parallel_loop3A_474 : vector<16xf32>, vector<16xi1> -> vector<16xf32>
      %parallel_loop3A_476 = arith.mulf %parallel_loop3A_475, %exp3A_83 : vector<16xf32>
      %parallel_loop3A_477 = arith.mulf %parallel_loop3A_408, %mul3A_86 : vector<16xf32>
      %parallel_loop3A_478 = arith.addf %parallel_loop3A_476, %parallel_loop3A_477 : vector<16xf32>
      %parallel_loop3A_479 = arith.addf %parallel_loop3A_478, %parallel_loop3A_465 : vector<16xf32>
      tpu.vector_store_idx %arg9[%parallel_loop3A_412], %parallel_loop3A_479 : memref<4096xf32, #tpu.memory_space<vmem>>[vector<16xi32>], vector<16xf32>,
      %parallel_loop3A_480 = arith.subf %parallel_loop3A_478, %parallel_loop3A_465 : vector<16xf32>
      tpu.vector_store_idx %arg9[%parallel_loop3A_414], %parallel_loop3A_480 : memref<4096xf32, #tpu.memory_space<vmem>>[vector<16xi32>], vector<16xf32>,
      %parallel_loop3A_481 = vector.shape_cast %add3A_92 : vector<16xi32> to vector<16x1xi32>
      %parallel_loop3A_482 = vector.shape_cast %parallel_loop3A_481 : vector<16x1xi32> to vector<16xi32>
      %parallel_loop3A_483 = tpu.dynamic_gather %parallel_loop3A_465[%parallel_loop3A_482] in [0] : vector<16xf32>, vector<16xi32> -> vector<16xf32>
      %parallel_loop3A_484 = vector.shape_cast %add3A_92 : vector<16xi32> to vector<16x1xi32>
      %parallel_loop3A_485 = vector.shape_cast %parallel_loop3A_484 : vector<16x1xi32> to vector<16xi32>
      %parallel_loop3A_486 = tpu.dynamic_gather %parallel_loop3A_478[%parallel_loop3A_485] in [0] : vector<16xf32>, vector<16xi32> -> vector<16xf32>
      scf.yield %parallel_loop3A_447, %parallel_loop3A_450, %parallel_loop3A_483, %parallel_loop3A_486 : vector<16xf32>, vector<16xf32>, vector<16xf32>, vector<16xf32>
    } {sc.loop_unroll_factor = 2 : i64, sc.parallel_access}
    %dma_start3A_380 = arith.constant 0 : i32
    %dma_start3A_381 = tpu.memref_slice %arg4[%mul3A_2, %dma_start3A_380] : memref<64x4096xf32, #tpu.memory_space<hbm>> -> memref<1x4096xf32, #tpu.memory_space<hbm>>
    %dma_start3A_382 = tpu.memref_squeeze %dma_start3A_381 : memref<1x4096xf32, #tpu.memory_space<hbm>> -> memref<4096xf32, #tpu.memory_space<hbm>>
    %dma_start3A_383 = arith.constant 0 : i32
    %dma_start3A_384 = tpu.memref_slice %arg4[%mul3A_2, %dma_start3A_383] : memref<64x4096xf32, #tpu.memory_space<hbm>> -> memref<1x4096xf32, #tpu.memory_space<hbm>>
    %dma_start3A_385 = tpu.memref_squeeze %dma_start3A_384 : memref<1x4096xf32, #tpu.memory_space<hbm>> -> memref<4096xf32, #tpu.memory_space<hbm>>
    tpu.enqueue_dma source(%arg8 : memref<4096xf32, #tpu.memory_space<vmem>>) target(%dma_start3A_385 : memref<4096xf32, #tpu.memory_space<hbm>>) target_semaphore(%arg16 : memref<!tpu.dma_semaphore, #tpu.memory_space<semaphore_mem>>)
    %dma_start3A_386 = arith.constant 0 : i32
    %dma_start3A_387 = tpu.memref_slice %arg4[%add3A_4, %dma_start3A_386] : memref<64x4096xf32, #tpu.memory_space<hbm>> -> memref<1x4096xf32, #tpu.memory_space<hbm>>
    %dma_start3A_388 = tpu.memref_squeeze %dma_start3A_387 : memref<1x4096xf32, #tpu.memory_space<hbm>> -> memref<4096xf32, #tpu.memory_space<hbm>>
    %dma_start3A_389 = arith.constant 0 : i32
    %dma_start3A_390 = tpu.memref_slice %arg4[%add3A_4, %dma_start3A_389] : memref<64x4096xf32, #tpu.memory_space<hbm>> -> memref<1x4096xf32, #tpu.memory_space<hbm>>
    %dma_start3A_391 = tpu.memref_squeeze %dma_start3A_390 : memref<1x4096xf32, #tpu.memory_space<hbm>> -> memref<4096xf32, #tpu.memory_space<hbm>>
    tpu.enqueue_dma source(%arg9 : memref<4096xf32, #tpu.memory_space<vmem>>) target(%dma_start3A_391 : memref<4096xf32, #tpu.memory_space<hbm>>) target_semaphore(%arg17 : memref<!tpu.dma_semaphore, #tpu.memory_space<semaphore_mem>>)
    %dma_wait3A_392 = arith.constant 0 : i32
    %dma_wait3A_393 = tpu.memref_slice %arg4[%mul3A_2, %dma_wait3A_392] : memref<64x4096xf32, #tpu.memory_space<hbm>> -> memref<1x4096xf32, #tpu.memory_space<hbm>>
    %dma_wait3A_394 = tpu.memref_squeeze %dma_wait3A_393 : memref<1x4096xf32, #tpu.memory_space<hbm>> -> memref<4096xf32, #tpu.memory_space<hbm>>
    %dma_wait3A_395 = arith.constant 0 : i32
    %dma_wait3A_396 = tpu.memref_slice %arg4[%mul3A_2, %dma_wait3A_395] : memref<64x4096xf32, #tpu.memory_space<hbm>> -> memref<1x4096xf32, #tpu.memory_space<hbm>>
    %dma_wait3A_397 = tpu.memref_squeeze %dma_wait3A_396 : memref<1x4096xf32, #tpu.memory_space<hbm>> -> memref<4096xf32, #tpu.memory_space<hbm>>
    tpu.wait_dma2 semaphore(%arg16 : memref<!tpu.dma_semaphore, #tpu.memory_space<semaphore_mem>>) src(%arg8 : memref<4096xf32, #tpu.memory_space<vmem>>) dst(%dma_wait3A_397 : memref<4096xf32, #tpu.memory_space<hbm>>)
    %dma_wait3A_398 = arith.constant 0 : i32
    %dma_wait3A_399 = tpu.memref_slice %arg4[%add3A_4, %dma_wait3A_398] : memref<64x4096xf32, #tpu.memory_space<hbm>> -> memref<1x4096xf32, #tpu.memory_space<hbm>>
    %dma_wait3A_400 = tpu.memref_squeeze %dma_wait3A_399 : memref<1x4096xf32, #tpu.memory_space<hbm>> -> memref<4096xf32, #tpu.memory_space<hbm>>
    %dma_wait3A_401 = arith.constant 0 : i32
    %dma_wait3A_402 = tpu.memref_slice %arg4[%add3A_4, %dma_wait3A_401] : memref<64x4096xf32, #tpu.memory_space<hbm>> -> memref<1x4096xf32, #tpu.memory_space<hbm>>
    %dma_wait3A_403 = tpu.memref_squeeze %dma_wait3A_402 : memref<1x4096xf32, #tpu.memory_space<hbm>> -> memref<4096xf32, #tpu.memory_space<hbm>>
    tpu.wait_dma2 semaphore(%arg17 : memref<!tpu.dma_semaphore, #tpu.memory_space<semaphore_mem>>) src(%arg9 : memref<4096xf32, #tpu.memory_space<vmem>>) dst(%dma_wait3A_403 : memref<4096xf32, #tpu.memory_space<hbm>>)
    return
  }
}

</mosaic_0001>

<sc_bundles>
// kernel: kernel.3.cloned.1.call-start
scs
__scs_entry_jumppad:
0x0: {  	(pc) =	sbr.rel $0x88, $3  }
0x1: {  	(tag) =	ssettag $0x0;
	lr =	simm.s32 $0x1  }
0x2: {  	[smem:$0x3F9F] =	sst lr;
	_ =	strace $0xD0000000  }
0x3: {  	_ = 	snop  }
0x4: {  	_ = 	snop  }
0x5: {  	_ = 	snop  }
0x6: {  	_ = 	snop  }
0x7: {  	_ = 	snop  }
__scs_overlays_trampoline_lowered:
0x8: {  	[smem:$0x3FAE] =	sst s0  }
0x9: {  	[smem:$0x3FAF] =	sst s1  }
0xa: {  	[smem:$0x3FB0] =	sst s2  }
0xb: {  	[smem:$0x3FB1] =	sst s3  }
0xc: {  	[smem:$0x3FB2] =	sst s4  }
0xd: {  	[smem:$0x3FB3] =	sst s5  }
0xe: {  	[smem:$0x3FB4] =	sst s6  }
0xf: {  	[smem:$0x3FB5] =	sst s7  }
0x10: {  	[smem:$0x3FB6] =	sst s8  }
0x11: {  	[smem:$0x3FB7] =	sst s9;
	s0 =	simm.s32 @!p0 $0x0  }
0x12: {  	s1 =	sld [smem:$0x3F9D];
	s0 =	simm.s32 @p0 $0x1  }
0x13: {  	[smem:$0x3FB8] =	sst s0;
	s0 =	simm.s32 @!p1 $0x0  }
0x14: {  	s2 =	sld [smem:$0x3F9C];
	s0 =	simm.s32 @p1 $0x1  }
0x15: {  	[smem:$0x3FB9] =	sst s0;
	s0 =	simm.s32 @!p2 $0x0  }
0x16: {  	s3 =	sld [smem:$0x3FDB];
	s0 =	simm.s32 @p2 $0x1  }
0x17: {  	s4 =	simm.s32 $0x1BF5;
	[smem:$0x3FBB] =	sst s0  }
0x18: {  	s0 =	sld [smem:$0x3F9E];
	_ =	swait.ge [sflag:s4], $0x0  }
0x19: {  	s7 =	sld [smem:$0x3F9F]  }
0x1a: {  	s8 =	sadd.s32 $0xFFFFE003, lr  }
0x1b: {  	s9 =	sadd.s32 $0xFFFFFEF7, lr;
	s5 =	simm.s32 $0xFFFFFFFF;
	p2 =	slt.u32 s8, $0xFFFFF086  }
0x1c: {  	p1 =	slt.u32 s9, $0xF7A;
	s5 =	simm.s32 @!p2 $0x0  }
0x1d: {  	s5 =	simm.s32 @p1 $0x1;
	p0 =	seq.s32 s7, s2  }
0x1e: {  	s7 =	smul.u32 @!p0 $0xF7A, s2;
	p2 =	seq.s32 @!p0 s5, $0x0  }
0x1f: {  	s9 =	smul.u32 $0xF7A, s1;
	s8 =	simm.s32 @!p0 $0x1BF5;
	p2 =	por !p2, p0  }
0x20: {  	[sflag:s8] =	ssyncset.s32 @!p0 $0xFFFFF086;
	s6 =	sadd.s32 @!p0 s3, s7;
	s7 =	simm.s32 @!p0 $0x108  }
0x21: {  	s3 =	sadd.s32 s3, s9;
	s6 =	sadd.s32 @!p0 $0x88, s6;
	s7 =	simm.s32 @p2 $0x1082  }
0x22: {  	[simem:s7], [sflag:s8] =	dma.local @!p0 [hbm:s6], $0xF7A  }
0x23: {  	s9 =	sor.u32 $0xD0000000, s2;
	s6 =	simm.s32 $0x108;
	_ =	swait.ge @!p0 [sflag:s8], $0x0  }
0x24: {  	s3 =	sadd.s32 $0x88, s3;
	s6 =	simm.s32 @!p1 $0x1082;
	[sflag:s4] =	ssyncset.s32 $0xFFFFF086  }
0x25: {  	[simem:s6], [sflag:s4] =	dma.local [hbm:s3], $0xF7A  }
0x26: {  	[smem:$0x3F9F] =	sst s1;
	(tag) =	ssettag s2;
	_ =	strace s9  }
0x27: {  	s1 =	sld [smem:$0x3FAF]  }
0x28: {  	s2 =	sld [smem:$0x3FB0]  }
0x29: {  	s4 =	sld [smem:$0x3FB2]  }
0x2a: {  	p0 =	seq.s32 s5, $0x0;
	s5 =	sld [smem:$0x3FB3]  }
0x2b: {  	s6 =	sld [smem:$0x3FB4]  }
0x2c: {  	s7 =	sld [smem:$0x3FB5]  }
0x2d: {  	s3 =	simm.s32 $0x108;
	s8 =	sld [smem:$0x3FB6]  }
0x2e: {  	s3 =	simm.s32 @!p0 $0x1082;
	s9 =	sld [smem:$0x3FB7]  }
0x2f: {  	lr =	sadd.s32 s0, s3;
	s0 =	sld [smem:$0x3FAE]  }
0x30: {  	s3 =	sld [smem:$0x3FB1]  }
0x31: {  	[smem:$0x3FBA] =	sst s10  }
0x32: {  	s10 =	sld [smem:$0x3FB8];
	_ =	sdelay $0x3  }
0x33: {  	p0 =	seq.s32 s10, $0x1;
	s10 =	sld [smem:$0x3FBA];
	_ =	sdelay $0x3  }
0x34: {  	[smem:$0x3FBA] =	sst s10  }
0x35: {  	s10 =	sld [smem:$0x3FB9];
	_ =	sdelay $0x3  }
0x36: {  	p1 =	seq.s32 s10, $0x1;
	s10 =	sld [smem:$0x3FBA];
	_ =	sdelay $0x3  }
0x37: {  	[smem:$0x3FBA] =	sst s10  }
0x38: {  	s10 =	sld [smem:$0x3FBB]  }
0x39: {  	_ = 	snop;
	(pc) =	sbr.ind lr, $3  }
0x3a: {  	_ = 	snop  }
0x3b: {  	_ = 	snop  }
0x3c: {  	p2 =	seq.s32 s10, $0x1;
	s10 =	sld [smem:$0x3FBA]  }
0x3d: {  	_ =	shalt  }
0x3e: {  	_ =	shalt  }
0x3f: {  	_ =	shalt  }
0x40: {  	_ =	shalt  }
0x41: {  	_ =	shalt  }
0x42: {  	_ =	shalt  }
0x43: {  	_ =	shalt  }
0x44: {  	_ =	shalt  }
0x45: {  	_ =	shalt  }
0x46: {  	_ =	shalt  }
0x47: {  	_ =	shalt  }
0x48: {  	_ =	shalt  }
0x49: {  	_ =	shalt  }
0x4a: {  	_ =	shalt  }
0x4b: {  	_ =	shalt  }
0x4c: {  	_ =	shalt  }
0x4d: {  	_ =	shalt  }
0x4e: {  	_ =	shalt  }
0x4f: {  	_ =	shalt  }
0x50: {  	_ =	shalt  }
0x51: {  	_ =	shalt  }
0x52: {  	_ =	shalt  }
0x53: {  	_ =	shalt  }
0x54: {  	_ =	shalt  }
0x55: {  	_ =	shalt  }
0x56: {  	_ =	shalt  }
0x57: {  	_ =	shalt  }
0x58: {  	_ =	shalt  }
0x59: {  	_ =	shalt  }
0x5a: {  	_ =	shalt  }
0x5b: {  	_ =	shalt  }
0x5c: {  	_ =	shalt  }
0x5d: {  	_ =	shalt  }
0x5e: {  	_ =	shalt  }
0x5f: {  	_ =	shalt  }
0x60: {  	_ =	shalt  }
0x61: {  	_ =	shalt  }
0x62: {  	_ =	shalt  }
0x63: {  	_ =	shalt  }
0x64: {  	_ =	shalt  }
0x65: {  	_ =	shalt  }
0x66: {  	_ =	shalt  }
0x67: {  	_ =	shalt  }
0x68: {  	_ =	shalt  }
0x69: {  	_ =	shalt  }
0x6a: {  	_ =	shalt  }
0x6b: {  	_ =	shalt  }
0x6c: {  	_ =	shalt  }
0x6d: {  	_ =	shalt  }
0x6e: {  	_ =	shalt  }
0x6f: {  	_ =	shalt  }
0x70: {  	_ =	shalt  }
0x71: {  	_ =	shalt  }
0x72: {  	_ =	shalt  }
0x73: {  	_ =	shalt  }
0x74: {  	_ =	shalt  }
0x75: {  	_ =	shalt  }
0x76: {  	_ =	shalt  }
0x77: {  	_ =	shalt  }
0x78: {  	_ =	shalt  }
0x79: {  	_ =	shalt  }
0x7a: {  	_ =	shalt  }
0x7b: {  	_ =	shalt  }
0x7c: {  	_ =	shalt  }
0x7d: {  	_ =	shalt  }
0x7e: {  	_ =	shalt  }
0x7f: {  	_ =	shalt  }
0x80: {  	_ =	shalt  }
0x81: {  	_ =	shalt  }
0x82: {  	_ =	shalt  }
0x83: {  	_ =	shalt  }
0x84: {  	_ =	shalt  }
0x85: {  	_ =	shalt  }
0x86: {  	_ =	shalt  }
0x87: {  	_ =	shalt  }
.Lfunc_end0:
.L_simem_size_0:
called_computation_lowered:
.L_overlay_start_0:
0x88: {  	s2 =	sld [smem:$0x3FD9]  }
0x89: {  	s3 =	sld [smem:$0x3FFE];
	_ =	sdelay $0x1  }
0x8a: {  	s1 =	srdreg.scid  }
0x8b: {  	s0 =	sand.u32 $0x1, s1  }
0x8c: {  	s17 =	sshll.u32 s0, $0xA;
	s2 =	sadd.s32 s3, s2  }
0x8d: {  	s2 =	sadd.s32 s2, s17  }
0x8e: {  	[smem:$0x3FC6] =	sst s2  }
0x8f: {  	_ = 	snop  }
0x90: {  	s2 =	sld [smem:$0x3FD0];
	(tm) =	ssettm $0x1  }
0x91: {  	s18 =	sld [smem:$0x3FFB];
	_ =	sdelay $0x3  }
0x92: {  	_ =	strace s18  }
0x93: {  	s3 =	sld [smem:$0x3FFC];
	_ =	sdelay $0x3  }
0x94: {  	_ =	strace s3  }
0x95: {  	s3 =	sld [smem:$0x3FFD];
	_ =	sdelay $0x3  }
0x96: {  	_ =	strace s3  }
0x97: {  	_ =	strace $0x8FFFFFFF  }
0x98: {  	s19 =	sld [smem:$0x3FDB];
	_ =	sdelay $0x1  }
0x99: {  	s4 =	simm.s32 $_scs_section_size  }
0x9a: {  	s5 =	simm.s32 $_size__tile_overlayer_lowered;
	s6 =	simm.s32 $_tile_overlayer_lowered  }
0x9b: {  	s22 =	simm.s32 $0x1BFF;
	s21 =	sshll.u32 s6, $0x1;
	s3 =	sadd.s32 s4, s19  }
0x9c: {  	s7 =	simm.s32 $0x0;
	s20 =	sshll.u32 s5, $0x1;
	s5 =	sadd.s32 s21, s3  }
0x9d: {  	[timem:s7], [sflag:s22] =	dma.local [hbm:s5], s20  }
0x9e: {  	_ =	swait.ge [sflag:s22], s20  }
0x9f: {  	s4 =	ssub.s32 $0x0, s20;
	[sflag:s22] =	ssyncset.done $0x0  }
0xa0: {  	[sflag:s22] =	ssyncadd.s32 s4;
	_ =	sdelay $0x1  }
0xa1: {  	s23 =	simm.s32 $0x1B8B  }
0xa2: {  	_ =	swait.ge [sflag:s23], $0x1  }
0xa3: {  	[sflag:s23] =	ssyncset.done $0x0  }
0xa4: {  	s25 =	simm.s32 $0x1B8E;
	s24 =	sld [smem:$0x3FFE];
	[sflag:s23] =	ssyncadd.s32 $0xFFFFFFFF  }
0xa5: {  	s26 =	simm.s32 $execute0_lowered;
	[smem:$0x3FD2] =	sst s25  }
0xa6: {  	s5 =	sshll.u32 s26, $0x1;
	_ =	strace $0x80000046;
	[dreg:$0x1] =	wrdreg $0xFFFFFFFF  }
0xa7: {  	s28 =	simm.s32 $_size_execute0_lowered;
	s3 =	sadd.s32 s3, s5;
	[dreg:$0x0] =	wrdreg $0x0  }
0xa8: {  	s5 =	sshll.u32 s28, $0x1;
	[dreg:$0x2] =	wrdreg s3  }
0xa9: {  	[dreg:$0x3] =	wrdreg s5  }
0xaa: {  	[dreg:$0x4] =	wrdreg $0xC0  }
0xab: {  	_ =	task [dreg:s7], $0x5FFFF  }
0xac: {  	[dreg:$0x1] =	wrdreg $0xFFFFFFFF  }
0xad: {  	[dreg:$0x0] =	wrdreg $0x60  }
0xae: {  	[dreg:$0x2] =	wrdreg s2  }
0xaf: {  	[dreg:$0x3] =	wrdreg s24  }
0xb0: {  	[dreg:$0x4] =	wrdreg $0x88800  }
0xb1: {  	[dreg:$0x5] =	wrdreg $0x9  }
0xb2: {  	_ =	task.clear_ibuf [dreg:s7], $0x6FFFF;
	_ =	strace $0x90000046  }
0xb3: {  	s29 =	simm.s32 $0x9;
	_ =	strace $0x80000048  }
0xb4: {  	_ =	swait.ge [sflag:s29], $0x1  }
0xb5: {  	[sflag:s29] =	ssyncadd.s32 $0xFFFFFFFF  }
0xb6: {  	_ =	strace $0x90000048  }
0xb7: {  	_ =	sfence  }
0xb8: {  	s30 =	sld [smem:$0x0];
	_ =	sdelay $0x2  }
0xb9: {  	s31 =	sshll.u32 s1, $0xD;
	s1 =	sshrl.u32 s1, $0x2  }
0xba: {  	s3 =	sand.u32 $0x4000, s31;
	s1 =	sadd.s32 s1, s30  }
0xbb: {  	s0 =	sor.u32 s3, s0;
	s1 =	sshll.u32 s1, $0x11  }
0xbc: {  	s0 =	sor.u32 s1, s0  }
0xbd: {  	s0 =	sadd.s32 $0x8F2B, s0  }
0xbe: {  	[sflag:s0] =	ssyncadd.remote.s32 $0x1  }
0xbf: {  	_ =	sfence.sel $0xFFFF  }
0xc0: {  	[dreg:$0x0] =	wrdreg $0xFFFFFFFF;
	(pc) =	sbr.abs _section_cstart, $3  }
0xc1: {  	[dreg:$0x1] =	wrdreg $0xFFFFFFFF  }
0xc2: {  	_ =	task.clear_ibuf [dreg:s7], $0x2FFFF;
	_ =	strace $0x9FFFFFFF  }
0xc3: {  	(tm) =	ssettm $0x7FFFFFFF  }
tec
execute0_lowered:
.L_overlay_start_1:
0x0: {  	(tag) =	ssettag $0x1  }
0x1: {  	v0 =	vimm.f32 $1.110008720e+00;
	vm14 =	vcmask $0x300  }
0x2: {  	vm13 =	vcmask $0x704;
	v0 =	vsel vm14, $0x0, v0  }
0x3: {  	vm12 =	vcmask $0xB08;
	v0 =	vsel vm13, $0x3D978D9E, v0  }
0x4: {  	vm11 =	vcmask $0xF0C;
	v0 =	vsel vm12, $0x3E178D9E, v0  }
0x5: {  	vm10 =	vcmask $0x1310;
	v0 =	vsel vm11, $0x3E63546C, v0  }
0x6: {  	vm9 =	vcmask $0x1714;
	v0 =	vsel vm10, $0x3E978D9E, v0  }
0x7: {  	vm8 =	vcmask $0x1B18;
	v0 =	vsel vm9, $0x3EBD7106, v0  }
0x8: {  	vm7 =	vcmask $0x1F1C;
	v0 =	vsel vm8, $0x3EE3546C, v0  }
0x9: {  	vm6 =	vcmask $0x2320;
	v0 =	vsel vm7, $0x3F049BEA, v0  }
0xa: {  	vm2 =	vcmask $0x2724;
	v0 =	vsel vm6, $0x3F178D9E, v0  }
0xb: {  	vm3 =	vcmask $0x2B28;
	v0 =	vsel vm2, $0x3F2A7F51, v0  }
0xc: {  	vm4 =	vcmask $0x2F2C;
	v0 =	vsel vm3, $0x3F3D7106, v0  }
0xd: {  	s0 =	rddreg [dreg:$0x0];
	vm5 =	vcmask $0x3330;
	v0 =	vsel vm4, $0x3F5062BA, v0  }
0xe: {  	s1 =	rddreg [dreg:$0x1];
	s2 =	simm.s32 $0x0;
	vm1 =	vcmask $0x3734;
	v0 =	vsel vm5, $0x3F63546C, v0  }
0xf: {  	vm0 =	vcmask $0x3B38;
	[smem:$0x7FF] =	sst s2;
	v0 =	vsel vm1, $0x3F764621, v0  }
0x10: {  	s10 =	rddreg [dreg:$0x2];
	v1 =	vimm.f32 $-1.110008720e+00;
	_ =	strace $0x80000047;
	v0 =	vsel vm0, $0x3F849BEA, v0  }
0x11: {  	(erf) = vpow2.f32 v0;
	v0 =	vsel vm14, $0x80000000, v1  }
0x12: {  	v1 =	vimm.f32 $1.084735390e-01;
	v0 =	vsel vm13, $0xBD978D9E, v0  }
0x13: {  	v2 =	vimm.f32 $-1.084735390e-01;
	s15 =	simm.s32 $0x400;
	s16 =	simm.s32 $0x4000;
	v1 =	vsel vm14, $0x0, v1;
	v0 =	vsel vm12, $0xBE178D9E, v0  }
0x14: {  	s17 =	simm.s32 $0x5000;
	v2 =	vsel vm14, $0x80000000, v2;
	v1 =	vsel vm13, $0x3BECF6CD, v1;
	v0 =	vsel vm11, $0xBE63546C, v0  }
0x15: {  	v2 =	vsel vm13, $0xBBECF6CD, v2;
	v1 =	vsel vm12, $0x3C6CF6CD, v1;
	v0 =	vsel vm10, $0xBE978D9E, v0  }
0x16: {  	v2 =	vsel vm12, $0xBC6CF6CD, v2;
	v1 =	vsel vm11, $0x3CB1B91A, v1;
	v0 =	vsel vm9, $0xBEBD7106, v0  }
0x17: {  	v2 =	vsel vm11, $0xBCB1B91A, v2;
	v1 =	vsel vm10, $0x3CECF6CD, v1;
	v0 =	vsel vm8, $0xBEE3546C, v0  }
0x18: {  	v2 =	vsel vm10, $0xBCECF6CD, v2;
	v1 =	vsel vm9, $0x3D141A40, v1;
	v0 =	vsel vm7, $0xBF049BEA, v0  }
0x19: {  	v2 =	vsel vm9, $0xBD141A40, v2;
	v1 =	vsel vm8, $0x3D31B91A, v1;
	v0 =	vsel vm6, $0xBF178D9E, v0  }
0x1a: {  	v2 =	vsel vm8, $0xBD31B91A, v2;
	v1 =	vsel vm7, $0x3D4F57F3, v1;
	v0 =	vsel vm2, $0xBF2A7F51, v0  }
0x1b: {  	v2 =	vsel vm7, $0xBD4F57F3, v2;
	v1 =	vsel vm6, $0x3D6CF6CD, v1;
	v0 =	vsel vm3, $0xBF3D7106, v0  }
0x1c: {  	v2 =	vsel vm6, $0xBD6CF6CD, v2;
	v1 =	vsel vm2, $0x3D854AD3, v1;
	v0 =	vsel vm4, $0xBF5062BA, v0  }
0x1d: {  	v2 =	vsel vm2, $0xBD854AD3, v2;
	v1 =	vsel vm3, $0x3D941A40, v1;
	v0 =	vsel vm5, $0xBF63546C, v0  }
0x1e: {  	v2 =	vsel vm3, $0xBD941A40, v2;
	v1 =	vsel vm4, $0x3DA2E9AD, v1;
	v0 =	vsel vm1, $0xBF764621, v0  }
0x1f: {  	s4 =	srdreg.scid;
	s6 =	stileid.u32;
	v2 =	vsel vm4, $0xBDA2E9AD, v2;
	v1 =	vsel vm5, $0x3DB1B91A, v1;
	v0 =	vsel vm0, $0xBF849BEA, v0  }
0x20: {  	s14 =	simm.s32 $0x80;
	s19 =	simm.s32 $0x2000;
	s20 =	simm.s32 $0x3000;
	v2 =	vsel vm5, $0xBDB1B91A, v2;
	v1 =	vsel vm1, $0x3DC08887, v1;
	(erf) = vpow2.f32 v0  }
0x21: {  	v3 =	vlaneseq.u32;
	s21 =	simm.s32 $0x1;
	s22 =	simm.s32 $0x8000;
	s23 =	simm.s32 $0x6;
	v0 =	vsel vm0, $0x3DCF57F3, v1;
	v1 =	vsel vm1, $0xBDC08887, v2  }
0x22: {  	s24 =	simm.s32 $0x8080;
	s28 =	simm.s32 $0x6000;
	s29 =	simm.s32 $0x7000;
	(erf) = vpow2.f32 v0;
	v0 =	vsel vm0, $0xBDCF57F3, v1;
	v1 =	vmul.u32 $0x2, v3  }
0x23: {  	s30 =	simm.s32 $0x4;
	s31 =	simm.s32 $0x5;
	s3 =	sadd.s32 $0x600, s1;
	(erf) = vpow2.f32 v0  }
0x24: {  	s1 =	sadd.s32 $0x8600, s1;
	s4 =	sand.u32 $0x1, s4;
	s8 =	sshll.u32 s6, $0x9;
	v4 =	vor.u32 $0x20, v1;
	[tilespmem:$0x1FFF0] =	vst v1  }
0x25: {  	s6 =	sshll.u32 s6, $0xE;
	s5 =	sshll.u32 s4, $0x8;
	s7 =	sand.u32 $0x200, s8;
	v7 =	vor.u32 $0x21, v1;
	[tilespmem:$0x1FF70] =	vst v4  }
0x26: {  	s4 =	ssub.s32 $0x2, s4;
	s6 =	sand.u32 $0x38000, s6;
	s26 =	sshrl.u32 s8, $0x2;
	v12 =	vor.u32 $0x40, v1;
	[tilespmem:$0x1FF80] =	vst v7  }
0x27: {  	s5 =	sor.u32 s5, s7;
	s9 =	sshrl.u32 s4, $0x1;
	s10 =	sadd.s32 s26, s10;
	v13 =	vor.u32 $0x41, v1;
	[tilespmem:$0x1FF90] =	vst v12  }
0x28: {  	s26 =	simm.s32 $0x3;
	s5 =	sor.u32 s6, s5;
	s6 =	sor.u32 s7, s6;
	v6 =	vpop (erf);
	v33 =	vor.u32 $0x60, v1;
	[tilespmem:$0x1FFA0] =	vst v13  }
0x29: {  	s13 =	ssub.s32 s4, s9;
	s11 =	sshrl.u32 s5, $0x3;
	s25 =	sshrl.u32 s6, $0x3;
	v34 =	vor.u32 $0x61, v1;
	[tilespmem:$0x1FFB0] =	vst v33;
	v16 =	vpop (erf)  }
0x2a: {  	s13 =	smax.u32 s13, $0x1;
	s4 =	sadd.s32 s3, s11;
	s12 =	sor.u32 $0x10, s11;
	v5 =	vor.u32 $0x1, v1;
	[tilespmem:$0x1FFC0] =	vst v34;
	v3 =	vmul.f32 $9.499999880e-01, v16  }
0x2b: {  	s5 =	sadd.s32 s0, s25;
	s11 =	sadd.s32 s1, s11;
	s25 =	simm.s32 $0x2;
	[tilespmem:$0x1FFE0] =	vst v5;
	v0 =	vpop (erf)  }
0x2c: {  	s0 =	simm.s32 $0x0;
	s6 =	sadd.s32 s3, s12;
	s7 =	sadd.s32 $0x10, s5;
	v52 =	vpop (erf);
	[tilespmem:$0x1FF60] =	vst v3  }
0x2d: {  	s8 =	sadd.s32 $0x20, s5;
	s9 =	sadd.s32 $0x30, s5;
	s12 =	sadd.s32 s1, s12;
	v3 =	vmul.f32 $9.950000040e-01, v52;
	[tilespmem:$0x1FFD0] =	vst v52  }
.LBB2_1:
0x2e: {  	[tilespmem:s16], [sflag:$0x2] =	stream.strided.gather [hbm4b:s4+s14], $0x1000, s15, s14, $0x38;
	[tilespmem:$0x88A0] =	vst v63  }
0x2f: {  	_ = 	snop  }
0x30: {  	[tilespmem:s17], [sflag:$0x3] =	stream.strided.gather [hbm4b:s6+s14], $0x1000, s15, s14, $0x38;
	[tilespmem:$0x88A0] =	vst v63  }
0x31: {  	_ = 	snop  }
0x32: {  	[tilespmem:s2], [sflag:$0x1] =	stream.strided.gather [hbm4b:s5+s14], $0x1000, s15, s14, $0x38;
	[tilespmem:$0x88A0] =	vst v63  }
0x33: {  	s1 =	simm.s32 $0x1000  }
0x34: {  	[tilespmem:s1], [sflag:$0x1] =	stream.strided.gather [hbm4b:s7+s14], $0x1000, s15, s14, $0x38;
	[tilespmem:$0x88A0] =	vst v63  }
0x35: {  	_ = 	snop  }
0x36: {  	[tilespmem:s19], [sflag:$0x1] =	stream.strided.gather [hbm4b:s8+s14], $0x1000, s15, s14, $0x38;
	[tilespmem:$0x88A0] =	vst v63  }
0x37: {  	_ = 	snop  }
0x38: {  	[tilespmem:s20], [sflag:$0x1] =	stream.strided.gather [hbm4b:s9+s14], $0x1000, s15, s14, $0x38;
	[tilespmem:$0x88A0] =	vst v63  }
0x39: {  	_ =	swait.ge [sflag:s21], $0x1000  }
0x3a: {  	[sflag:s21] =	ssyncset.done $0x0  }
0x3b: {  	[sflag:s21] =	ssyncadd.s32 $0xFFFFF000  }
0x3c: {  	_ =	swait.ge [sflag:s21], $0x1000  }
0x3d: {  	[sflag:s21] =	ssyncset.done $0x0  }
0x3e: {  	[sflag:s21] =	ssyncadd.s32 $0xFFFFF000  }
0x3f: {  	_ =	swait.ge [sflag:s21], $0x1000  }
0x40: {  	v8 =	vor.u32 s2, v33;
	[sflag:s21] =	ssyncset.done $0x0  }
0x41: {  	v9 =	vor.u32 s2, v12;
	[sflag:s21] =	ssyncadd.s32 $0xFFFFF000  }
0x42: {  	_ =	swait.ge [sflag:s21], $0x1000  }
0x43: {  	v10 =	vor.u32 s2, v4;
	[sflag:s21] =	ssyncset.done $0x0  }
0x44: {  	v11 =	vor.u32 s2, v1;
	[sflag:s21] =	ssyncadd.s32 $0xFFFFF000  }
0x45: {  	v14 =	vor.u32 s2, v5;
	v17 =	vld.idx.msk [tilespmem:v8+s2+$0x0], $0xffff  }
0x46: {  	v8 =	vld.idx.msk [tilespmem:v9+s2+$0x0], $0xffff;
	v9 =	vor.u32 s2, v13  }
0x47: {  	v15 =	vor.u32 s2, v7;
	s1 =	simm.s32 $0x80  }
0x48: {  	v27 =	vor.u32 s1, v33;
	v25 =	vld.idx.msk [tilespmem:v10+s2+$0x0], $0xffff  }
0x49: {  	v10 =	vor.u32 s2, v34;
	v18 =	vld.idx.msk [tilespmem:v11+s2+$0x0], $0xffff  }
0x4a: {  	v11 =	vor.u32 s1, v12;
	v22 =	vld.idx.msk [tilespmem:v14+s2+$0x0], $0xffff  }
0x4b: {  	v19 =	vld.idx.msk [tilespmem:v9+s2+$0x0], $0xffff;
	v9 =	vor.u32 s1, v4  }
0x4c: {  	v26 =	vor.u32 s1, v1;
	v21 =	vld.idx.msk [tilespmem:v15+s2+$0x0], $0xffff  }
0x4d: {  	v14 =	vld.idx.msk [tilespmem:v27+s2+$0x0], $0xffff;
	v27 =	vor.u32 s1, v5  }
0x4e: {  	v28 =	vor.u32 s1, v7;
	v20 =	vld.idx.msk [tilespmem:v10+s2+$0x0], $0xffff  }
0x4f: {  	v24 =	vimm.f32 $-3.399999950e+38;
	v23 =	vimm.f32 $3.399999950e+38;
	s3 =	simm.s32 $0x4;
	s18 =	simm.s32 $0x100;
	v29 =	vor.u32 s1, v13;
	v15 =	vld.idx.msk [tilespmem:v11+s2+$0x0], $0xffff  }
.LBB2_2:
0x50: {  	v10 =	vor.u32 s18, v33;
	v11 =	vld.idx.msk [tilespmem:v9+s2+$0x0], $0xffff;
	v30 =	vor.u32 s1, v34;
	v31 =	vsub.f32 v18, v22;
	s1 =	smov.u32 s18  }
0x51: {  	v9 =	vor.u32 s18, v4;
	v32 =	vor.u32 s18, v12;
	v25 =	vsub.f32 v25, v21;
	s3 =	sadd.s32 $0x4, s3;
	v18 =	vld.idx.msk [tilespmem:v26+s2+$0x0], $0xffff  }
0x52: {  	v35 =	vsub.f32 v8, v19;
	p0 =	slt.u32 s3, $0x1FC;
	v22 =	vld.idx.msk [tilespmem:v27+s2+$0x0], $0xffff;
	v24 =	vmax.f32 v24, v31;
	v23 =	vmin.f32 v23, v31  }
.Ltmp0:
0x53: {  	v31 =	vsub.f32 v17, v20;
	v21 =	vld.idx.msk [tilespmem:v28+s2+$0x0], $0xffff;
	v24 =	vmax.f32 v24, v25;
	v23 =	vmin.f32 v23, v25;
	(pc) =	sbr.rel @p0 .LBB2_2-.Ltmp0, $4  }
0x54: {  	v26 =	vor.u32 s18, v1;
	v17 =	vmovc v14;
	v19 =	vld.idx.msk [tilespmem:v29+s2+$0x0], $0xffff;
	v24 =	vmax.f32 v24, v35;
	v2 =	vmin.f32 v23, v35  }
0x55: {  	v27 =	vor.u32 s18, v5;
	v8 =	vmovc v15;
	v20 =	vld.idx.msk [tilespmem:v30+s2+$0x0], $0xffff;
	v24 =	vmax.f32 v24, v31;
	v23 =	vmin.f32 v2, v31  }
0x56: {  	v28 =	vor.u32 s18, v7;
	v25 =	vmov v11;
	v14 =	vld.idx.msk [tilespmem:v10+s2+$0x0], $0xffff  }
0x57: {  	s18 =	sadd.s32 $0x80, s18;
	v29 =	vor.u32 s1, v13;
	v15 =	vld.idx.msk [tilespmem:v32+s2+$0x0], $0xffff  }
0x58: {  	_ =	sdelay $0x3  }
0x59: {  	v9 =	vld.idx.msk [tilespmem:v9+s2+$0x0], $0xffff;
	v10 =	vor.u32 s1, v34  }
0x5a: {  	v11 =	vld.idx.msk [tilespmem:v26+s2+$0x0], $0xffff  }
0x5b: {  	v26 =	vld.idx.msk [tilespmem:v27+s2+$0x0], $0xffff  }
0x5c: {  	v18 =	vsub.f32 v18, v22;
	v22 =	vld.idx.msk [tilespmem:v28+s2+$0x0], $0xffff  }
0x5d: {  	v21 =	vsub.f32 v25, v21;
	v25 =	vld.idx.msk [tilespmem:v29+s2+$0x0], $0xffff  }
0x5e: {  	v8 =	vsub.f32 v8, v19;
	v24 =	vmax.f32 v24, v18;
	v10 =	vld.idx.msk [tilespmem:v10+s2+$0x0], $0xffff  }
0x5f: {  	v18 =	vmin.f32 v23, v18;
	v17 =	vsub.f32 v17, v20;
	v19 =	vmax.f32 v24, v21  }
0x60: {  	v18 =	vmin.f32 v18, v21;
	v19 =	vmax.f32 v19, v8;
	v11 =	vsub.f32 v11, v26  }
0x61: {  	v8 =	vmin.f32 v18, v8;
	v18 =	vmax.f32 v19, v17;
	v9 =	vsub.f32 v9, v22  }
0x62: {  	v8 =	vmin.f32 v8, v17;
	v15 =	vsub.f32 v15, v25;
	v17 =	vmax.f32 v18, v11  }
0x63: {  	v8 =	vmin.f32 v8, v11;
	v11 =	vmax.f32 v17, v9;
	v10 =	vsub.f32 v14, v10  }
0x64: {  	v8 =	vmin.f32 v8, v9;
	v9 =	vmax.f32 v11, v15  }
0x65: {  	v8 =	vmin.f32 v8, v15;
	v9 =	vmax.f32 v9, v10  }
0x66: {  	v8 =	vmin.f32 v8, v10;
	[tilespmem:$0x8000] =	vst v9  }
0x67: {  	[tilespmem:$0x8010] =	vst v8  }
0x68: {  	[spmem:s10] =	stream.linear.scatter [tilespmem:s22], [sflag:$0x6], $0x80, $0x38;
	[tilespmem:$0x88A0] =	vst v63  }
0x69: {  	_ =	swait.ge [sflag:s23], $0x80  }
0x6a: {  	[sflag:s23] =	ssyncset.done $0x0  }
0x6b: {  	[sflag:s23] =	ssyncadd.s32 $0xFFFFFF80  }
0x6c: {  	[bflag:$0x0] =	sbarrier.arrive $0xFFFF  }
0x6d: {  	s18 =	rddreg [dreg:$0x2]  }
0x6e: {  	[tilespmem:s24], [sflag:$0x6] =	stream.linear.gather [spmem:s18], $0x800, $0x38;
	[tilespmem:$0x88A0] =	vst v63  }
0x6f: {  	_ =	swait.ge [sflag:s23], $0x800  }
0x70: {  	[sflag:s23] =	ssyncset.done $0x0  }
0x71: {  	[sflag:s23] =	ssyncadd.s32 $0xFFFFF800  }
0x72: {  	v8 =	vld [tilespmem:$0x8080]  }
0x73: {  	v9 =	vld [tilespmem:$0x8090]  }
0x74: {  	v10 =	vld [tilespmem:$0x8100]  }
0x75: {  	v11 =	vld [tilespmem:$0x8110]  }
0x76: {  	v14 =	vld [tilespmem:$0x8180]  }
0x77: {  	v15 =	vld [tilespmem:$0x8190]  }
0x78: {  	v17 =	vld [tilespmem:$0x8200]  }
0x79: {  	v18 =	vld [tilespmem:$0x8210]  }
0x7a: {  	v19 =	vld [tilespmem:$0x8280]  }
0x7b: {  	v20 =	vld [tilespmem:$0x8290]  }
0x7c: {  	v21 =	vld [tilespmem:$0x8300]  }
0x7d: {  	v22 =	vld [tilespmem:$0x8310]  }
0x7e: {  	v23 =	vld [tilespmem:$0x8380]  }
0x7f: {  	v24 =	vld [tilespmem:$0x8390]  }
0x80: {  	v25 =	vld [tilespmem:$0x8400]  }
0x81: {  	v26 =	vld [tilespmem:$0x8410]  }
0x82: {  	v27 =	vld [tilespmem:$0x8480]  }
0x83: {  	v28 =	vld [tilespmem:$0x8490]  }
0x84: {  	v29 =	vld [tilespmem:$0x8500]  }
0x85: {  	v30 =	vld [tilespmem:$0x8510]  }
0x86: {  	v31 =	vld [tilespmem:$0x8580];
	v8 =	vmax.f32 v8, $-3.399999950e+38  }
0x87: {  	v9 =	vmin.f32 v9, $3.399999950e+38;
	v8 =	vmax.f32 v8, v10;
	v10 =	vld [tilespmem:$0x8590]  }
0x88: {  	v9 =	vmin.f32 v9, v11;
	v11 =	vld [tilespmem:$0x8600];
	v8 =	vmax.f32 v8, v14  }
0x89: {  	v9 =	vmin.f32 v9, v15;
	v14 =	vld [tilespmem:$0x8610];
	v8 =	vmax.f32 v8, v17  }
0x8a: {  	v15 =	vld [tilespmem:$0x8680];
	v9 =	vmin.f32 v9, v18;
	v8 =	vmax.f32 v8, v19  }
0x8b: {  	v17 =	vld [tilespmem:$0x8690];
	v9 =	vmin.f32 v9, v20;
	v8 =	vmax.f32 v8, v21  }
0x8c: {  	v18 =	vld [tilespmem:$0x8700];
	v9 =	vmin.f32 v9, v22;
	v8 =	vmax.f32 v8, v23  }
0x8d: {  	v19 =	vld [tilespmem:$0x8710];
	v9 =	vmin.f32 v9, v24;
	v8 =	vmax.f32 v8, v25  }
0x8e: {  	v20 =	vld [tilespmem:$0x8780];
	v9 =	vmin.f32 v9, v26;
	v8 =	vmax.f32 v8, v27  }
0x8f: {  	v21 =	vld [tilespmem:$0x8790];
	v9 =	vmin.f32 v9, v28;
	v8 =	vmax.f32 v8, v29  }
0x90: {  	v22 =	vld [tilespmem:$0x8800];
	v9 =	vmin.f32 v9, v30;
	v8 =	vmax.f32 v8, v31  }
0x91: {  	v9 =	vmin.f32 v9, v10;
	v10 =	vld [tilespmem:$0x8810];
	v8 =	vmax.f32 v8, v11  }
0x92: {  	v9 =	vmin.f32 v9, v14;
	v8 =	vmax.f32 v8, v15  }
0x93: {  	v9 =	vmin.f32 v9, v17;
	v8 =	vmax.f32 v8, v18  }
0x94: {  	v9 =	vmin.f32 v9, v19;
	v8 =	vmax.f32 v8, v20  }
0x95: {  	v9 =	vmin.f32 v9, v21;
	v8 =	vmax.f32 v8, v22  }
0x96: {  	v9 =	vmin.f32 v9, v10;
	(xrf0) =	vmax.scan.msk.f32 $0xffff, v8  }
0x97: {  	(xrf0) =	vmin.scan.msk.f32 $0xffff, v9;
	_ =	sdelay $0x4  }
0x98: {  	v8, _, _ =	vpop (xrf0)  }
0x99: {  	(v2sf) =	vpush v8, $0xF;
	v8, _, _ =	vpop (xrf0)  }
0x9a: {  	(v2sf) =	vpush v8, $0xF;
	_ =	sdelay $0xd  }
0x9b: {  	s1 =	spop (v2sf)  }
0x9c: {  	s3 =	spop (v2sf)  }
0x9d: {  	s18 =	simm.s32 $0x0;
	_ =	swait.ge [sflag:s25], $0x1000  }
0x9e: {  	v21 =	vor.u32 s18, v5;
	[sflag:s25] =	ssyncset.done $0x0  }
0x9f: {  	v13 =	vor.u32 s18, v1;
	[sflag:s25] =	ssyncadd.s32 $0xFFFFF000  }
0xa0: {  	_ =	swait.ge [sflag:s26], $0x1000  }
0xa1: {  	[sflag:s26] =	ssyncset.done $0x0  }
0xa2: {  	[sflag:s26] =	ssyncadd.s32 $0xFFFFF000  }
0xa3: {  	s18 =	simm.s32 $0x20;
	v8 =	vld.idx.msk [tilespmem:v21+s16+$0x0], $0xffff  }
0xa4: {  	v12 =	vor.u32 s18, v5;
	v9 =	vld.idx.msk [tilespmem:v13+s16+$0x0], $0xffff  }
0xa5: {  	v26 =	vor.u32 s18, v1  }
0xa6: {  	p0 =	sge.f32 s1, $0.0e+00;
	p1 =	slt.f32 s3, $0.0e+00  }
0xa7: {  	v4 =	vimm.f32 $5.000000070e-02  }
0xa8: {  	v18 =	vpsel !p0, $0x3CCCCCCD, v4;
	v63 =	vpsel !p1, $0x3CCCCCCD, v4  }
0xa9: {  	v4 =	vimm.f32 $2.500000040e-02;
	v10 =	vld.idx.msk [tilespmem:v12+s16+$0x0], $0xffff;
	v8 =	vmul.f32 v8, v63;
	v9 =	vmul.f32 v9, v18  }
0xaa: {  	v2 =	vpsel !p0, $0x0, v4;
	v32 =	vpsel !p1, $0x0, v4;
	v11 =	vld.idx.msk [tilespmem:v26+s16+$0x0], $0xffff  }
0xab: {  	v8 =	vsub.f32 v8, v32;
	v9 =	vsub.f32 v9, v2;
	_ =	sdelay $0x1  }
0xac: {  	v14 =	vsub.f32 v9, v8  }
0xad: {  	v10 =	vmul.f32 v10, v63  }
0xae: {  	v11 =	vmul.f32 v11, v18;
	v15 =	vmul.f32 v14, v6;
	_ =	sdelay $0x1  }
0xaf: {  	v10 =	vsub.f32 v10, v32;
	v11 =	vsub.f32 v11, v2;
	(xrf2) =	vadd.scan.msk.f32 $0xffff, v15;
	_ =	sdelay $0x1  }
0xb0: {  	v15 =	vsub.f32 v11, v10;
	_ =	sdelay $0x1  }
0xb1: {  	s3 =	simm.s32 $0x40;
	v22 =	vmul.f32 v15, v6  }
0xb2: {  	v17 =	vor.u32 s3, v5  }
0xb3: {  	v19 =	vor.u32 s3, v1;
	v4 =	vld [tilespmem:$0x1FF60];
	(xrf2) =	vadd.scan.msk.f32 $0xffff, v22;
	_ =	sdelay $0x3  }
0xb4: {  	v24 =	vld.idx.msk [tilespmem:v17+s16+$0x0], $0xffff;
	v22 =	vimm.f32 $0.0e+00;
	v23, _, _ =	vpop (xrf2)  }
0xb5: {  	s18 =	simm.s32 $0x60;
	v25 =	vld.idx.msk [tilespmem:v19+s16+$0x0], $0xffff;
	v39 =	vmul.f32 v22, v4;
	v27 =	vmul.f32 v23, v16  }
0xb6: {  	v41 =	vor.u32 s18, v5  }
0xb7: {  	v23 =	vor.u32 s18, v1;
	v33 =	vadd.f32 v27, v39  }
0xb8: {  	v7 =	vimm.s32 $0xF  }
0xb9: {  	v27 =	vperm.xlane v33, v7  }
0xba: {  	v24 =	vmul.f32 v24, v63;
	v25 =	vmul.f32 v25, v18;
	v29, _, _ =	vpop (xrf2)  }
0xbb: {  	v58 =	vld.idx.msk [tilespmem:v41+s16+$0x0], $0xffff;
	v29 =	vmul.f32 v29, v16;
	v27 =	vmul.f32 v27, v4  }
0xbc: {  	v35 =	vsub.f32 v24, v32;
	v36 =	vsub.f32 v25, v2;
	v24 =	vld.idx.msk [tilespmem:v23+s16+$0x0], $0xffff  }
0xbd: {  	v14 =	vsub.f32 v33, v14;
	v37 =	vadd.f32 v29, v27  }
0xbe: {  	v38 =	vsub.f32 v36, v35  }
0xbf: {  	v14 =	vand.u32 $0x7FFFFFFF, v14;
	v15 =	vsub.f32 v37, v15  }
0xc0: {  	v8 =	vadd.f32 v8, v9;
	v25 =	vmul.f32 v38, v6;
	v14 =	vmul.f32 $4.736842220e-02, v14  }
0xc1: {  	v9 =	vmul.f32 v58, v63;
	v24 =	vmul.f32 v24, v18;
	v15 =	vand.u32 $0x7FFFFFFF, v15  }
0xc2: {  	v10 =	vadd.f32 v10, v11;
	(xrf2) =	vadd.scan.msk.f32 $0xffff, v25;
	v8 =	vadd.f32 v14, v8;
	v11 =	vmul.f32 $4.736842220e-02, v15  }
0xc3: {  	v9 =	vsub.f32 v9, v32;
	v14 =	vsub.f32 v24, v2  }
0xc4: {  	s3 =	simm.s32 $0x80;
	v8 =	vmul.f32 v8, v0;
	v10 =	vadd.f32 v11, v10  }
0xc5: {  	v25 =	vor.u32 s3, v1;
	v11 =	vsub.f32 v14, v9  }
0xc6: {  	v24 =	vor.u32 s3, v5;
	(xrf2) =	vadd.scan.msk.f32 $0xffff, v8;
	v10 =	vmul.f32 v10, v0  }
0xc7: {  	v8 =	vmul.f32 v11, v6  }
0xc8: {  	(xrf2) =	vadd.scan.msk.f32 $0xffff, v10  }
0xc9: {  	(xrf2) =	vadd.scan.msk.f32 $0xffff, v8  }
0xca: {  	v15 =	vld.idx.msk [tilespmem:v25+s16+$0x0], $0xffff  }
0xcb: {  	v10 =	vperm.xlane v37, v7;
	v8 =	vld.idx.msk [tilespmem:v24+s16+$0x0], $0xffff  }
0xcc: {  	v27, _, _ =	vpop (xrf2)  }
0xcd: {  	v27 =	vmul.f32 v27, v16;
	v10 =	vmul.f32 v10, v4;
	_ =	sdelay $0x1  }
0xce: {  	v59 =	vimm.f32 $5.000000000e-01;
	s18 =	simm.s32 $0xA0;
	v15 =	vmul.f32 v15, v18;
	v10 =	vadd.f32 v27, v10  }
0xcf: {  	v22 =	vmul.f32 v59, v3;
	v31 =	vor.u32 s18, v1;
	v40, _, _ =	vpop (xrf2);
	v8 =	vmul.f32 v8, v63  }
0xd0: {  	v15 =	vsub.f32 v15, v2;
	v61 =	vmul.f32 v40, v52;
	v43 =	vperm.xlane v10, v7  }
0xd1: {  	v27 =	vor.u32 s18, v5;
	v38 =	vsub.f32 v10, v38;
	v8 =	vsub.f32 v8, v32;
	v42, _, _ =	vpop (xrf2)  }
0xd2: {  	v35 =	vadd.f32 v35, v36;
	v48 =	vadd.f32 v61, v22;
	v43 =	vmul.f32 v43, v4;
	v60, _, _ =	vpop (xrf2)  }
0xd3: {  	v38 =	vand.u32 $0x7FFFFFFF, v38;
	v44 =	vsub.f32 v15, v8;
	v34 =	vmul.f32 v60, v16  }
0xd4: {  	v9 =	vadd.f32 v9, v14;
	v38 =	vmul.f32 $4.736842220e-02, v38;
	v50 =	vperm.xlane v48, v7  }
0xd5: {  	v49 =	vld.idx.msk [tilespmem:v31+s16+$0x0], $0xffff;
	v45 =	vadd.f32 v48, v33;
	v14 =	vmul.f32 v44, v6;
	v43 =	vadd.f32 v34, v43  }
0xd6: {  	v62 =	vld.idx.msk [tilespmem:v27+s16+$0x0], $0xffff;
	v33 =	vsub.f32 v48, v33;
	v35 =	vadd.f32 v38, v35;
	v51 =	vmul.f32 v42, v52  }
0xd7: {  	[tilespmem:v13+s28+$0x0] =	vst.idx.msk $0xffff, v45;
	(xrf2) =	vadd.scan.msk.f32 $0xffff, v14;
	v14 =	vmul.f32 v50, v3;
	v11 =	vsub.f32 v43, v11  }
0xd8: {  	[tilespmem:v21+s28+$0x0] =	vst.idx.msk $0xffff, v33;
	v35 =	vmul.f32 v35, v0  }
0xd9: {  	[tilespmem:$0x1FEF0] =	vst v13;
	v14 =	vadd.f32 v51, v14;
	v11 =	vand.u32 $0x7FFFFFFF, v11  }
0xda: {  	v54 =	vld.idx.msk [tilespmem:v13+s17+$0x0], $0xffff;
	(xrf2) =	vadd.scan.msk.f32 $0xffff, v35;
	v11 =	vmul.f32 $4.736842220e-02, v11  }
0xdb: {  	v36 =	vmul.f32 v49, v18;
	s3 =	simm.s32 $0xC0;
	v53 =	vmul.f32 v62, v63;
	v55 =	vld.idx.msk [tilespmem:v21+s17+$0x0], $0xffff;
	v34 =	vadd.f32 v14, v37  }
0xdc: {  	v13 =	vor.u32 s3, v5;
	v56 =	vsub.f32 v14, v37;
	v9 =	vadd.f32 v11, v9  }
0xdd: {  	s18 =	simm.s32 $0xE0;
	v40 =	vsub.f32 v36, v2;
	[tilespmem:v26+s28+$0x0] =	vst.idx.msk $0xffff, v34;
	v11 =	vsub.f32 v53, v32  }
0xde: {  	v36 =	vor.u32 s18, v1;
	[tilespmem:v12+s28+$0x0] =	vst.idx.msk $0xffff, v56;
	v9 =	vmul.f32 v9, v0  }
0xdf: {  	[tilespmem:$0x1FF00] =	vst v12;
	v37 =	vsub.f32 v40, v11  }
0xe0: {  	v38 =	vmul.f32 v54, v18;
	v35 =	vmul.f32 v55, v63;
	v34 =	vor.u32 s3, v1;
	v58 =	vld.idx.msk [tilespmem:v12+s17+$0x0], $0xffff;
	(xrf2) =	vadd.scan.msk.f32 $0xffff, v9  }
0xe1: {  	v47 =	vld.idx.msk [tilespmem:v13+s16+$0x0], $0xffff;
	v57 =	vmul.f32 v37, v6  }
0xe2: {  	v14 =	vperm.xlane v14, v7;
	v38 =	vsub.f32 v38, v2;
	v46 =	vsub.f32 v35, v32;
	v33 =	vld.idx.msk [tilespmem:v26+s17+$0x0], $0xffff  }
0xe3: {  	v8 =	vadd.f32 v8, v15;
	v54 =	vld.idx.msk [tilespmem:v36+s16+$0x0], $0xffff;
	v59, _, _ =	vpop (xrf2);
	(xrf2) =	vadd.scan.msk.f32 $0xffff, v57  }
0xe4: {  	v14 =	vmul.f32 v14, v3;
	v50 =	vsub.f32 v38, v46;
	v9 =	vperm.xlane v43, v7;
	v60, _, _ =	vpop (xrf2)  }
0xe5: {  	v20 =	vmovc v13;
	v13 =	vor.u32 s18, v5;
	v48 =	vld.idx.msk [tilespmem:v34+s16+$0x0], $0xffff;
	v45 =	vmul.f32 v59, v16;
	v49 =	vmul.f32 v60, v52  }
0xe6: {  	v46 =	vadd.f32 v46, v38;
	v15 =	vmul.f32 v50, v6;
	v9 =	vmul.f32 v9, v4  }
0xe7: {  	v42 =	vmul.f32 v58, v63;
	v14 =	vadd.f32 v49, v14;
	v61 =	vmul.f32 v47, v63  }
0xe8: {  	v49 =	vmul.f32 v33, v18;
	v60 =	vmul.f32 v54, v18;
	v9 =	vadd.f32 v45, v9  }
0xe9: {  	v12 =	vmovc v52;
	v42 =	vsub.f32 v42, v32;
	v62 =	vperm.xlane v14, v7;
	v51 =	vsub.f32 v14, v10  }
0xea: {  	v53 =	vld.idx.msk [tilespmem:v13+s16+$0x0], $0xffff;
	v48 =	vmul.f32 v48, v18;
	v45 =	vsub.f32 v61, v32;
	v44 =	vsub.f32 v9, v44;
	v35, _, _ =	vpop (xrf2)  }
0xeb: {  	v10 =	vadd.f32 v14, v10;
	v47 =	vmul.f32 v62, v3;
	(xrf2) =	vadd.scan.msk.f32 $0xffff, v15;
	v52 =	vmul.f32 v35, v12  }
0xec: {  	v55 =	vperm.xlane v9, v7;
	v48 =	vsub.f32 v48, v2;
	v44 =	vand.u32 $0x7FFFFFFF, v44  }
0xed: {  	v61 =	vsub.f32 v49, v2;
	[tilespmem:v19+s28+$0x0] =	vst.idx.msk $0xffff, v10;
	v15 =	vmul.f32 $4.736842220e-02, v44;
	v56, _, _ =	vpop (xrf2);
	v14 =	vadd.f32 v52, v47  }
0xee: {  	v57 =	vmul.f32 v55, v4;
	v52 =	vsub.f32 v48, v45;
	v44 =	vmul.f32 v56, v16  }
0xef: {  	v8 =	vadd.f32 v15, v8;
	v15 =	vmul.f32 v53, v63;
	v58 =	vadd.f32 v14, v43  }
0xf0: {  	s3 =	simm.s32 $0x100;
	v43 =	vsub.f32 v14, v43;
	v44 =	vadd.f32 v44, v57;
	v59 =	vmul.f32 v52, v6  }
0xf1: {  	v38 =	vor.u32 s3, v5;
	v10 =	vsub.f32 v60, v2;
	v8 =	vmul.f32 v8, v0;
	[tilespmem:v23+s28+$0x0] =	vst.idx.msk $0xffff, v58  }
0xf2: {  	v15 =	vsub.f32 v15, v32;
	v37 =	vsub.f32 v44, v37;
	(xrf2) =	vadd.scan.msk.f32 $0xffff, v59;
	[tilespmem:v41+s28+$0x0] =	vst.idx.msk $0xffff, v43  }
0xf3: {  	v14 =	vperm.xlane v14, v7;
	(xrf2) =	vadd.scan.msk.f32 $0xffff, v8;
	v8 =	vadd.f32 v11, v40;
	[tilespmem:$0x1FF10] =	vst v23  }
0xf4: {  	v11 =	vsub.f32 v61, v42;
	v37 =	vand.u32 $0x7FFFFFFF, v37;
	v47 =	vld.idx.msk [tilespmem:v23+s17+$0x0], $0xffff;
	[tilespmem:v17+s28+$0x0] =	vst.idx.msk $0xffff, v51  }
0xf5: {  	v33 =	vadd.f32 v15, v10;
	v49 =	vperm.xlane v44, v7;
	v37 =	vmul.f32 $4.736842220e-02, v37;
	v62, _, _ =	vpop (xrf2);
	v40 =	vld.idx.msk [tilespmem:v19+s17+$0x0], $0xffff  }
0xf6: {  	v10 =	vsub.f32 v10, v15;
	v35 =	vmul.f32 v11, v6;
	v53 =	vld.idx.msk [tilespmem:v17+s17+$0x0], $0xffff;
	v54 =	vmul.f32 v62, v16  }
0xf7: {  	s18 =	simm.s32 $0x120;
	v14 =	vmul.f32 v14, v3;
	v23 =	vmovc v17;
	v43 =	vld.idx.msk [tilespmem:v41+s17+$0x0], $0xffff;
	v17 =	vor.u32 s3, v1;
	v8 =	vadd.f32 v37, v8  }
0xf8: {  	v60 =	vld.idx.msk [tilespmem:v38+s16+$0x0], $0xffff;
	v62 =	vadd.f32 v42, v61;
	v42 =	vor.u32 s18, v5;
	(xrf2) =	vadd.scan.msk.f32 $0xffff, v35;
	v59 =	vadd.f32 v54, v39  }
0xf9: {  	v61 =	vmul.f32 v10, v6;
	v8 =	vmul.f32 v8, v0  }
0xfa: {  	v45 =	vadd.f32 v45, v48;
	v48 =	vmul.f32 v47, v18;
	v39 =	vperm.xlane v59, v7  }
0xfb: {  	v51 =	vmul.f32 v40, v18;
	(xrf2) =	vadd.scan.msk.f32 $0xffff, v8;
	v8 =	vmul.f32 v53, v63;
	v53 =	vsub.f32 v59, v50  }
0xfc: {  	v28 =	vmov v41;
	v43 =	vmul.f32 v43, v63;
	v40 =	vmul.f32 v49, v4;
	v35 =	vld.idx.msk [tilespmem:v17+s16+$0x0], $0xffff  }
0xfd: {  	v50 =	vmul.f32 v60, v63;
	v60 =	vld.idx.msk [tilespmem:v42+s16+$0x0], $0xffff;
	v49, _, _ =	vpop (xrf2);
	v15 =	vsub.f32 v51, v2;
	v58 =	vand.u32 $0x7FFFFFFF, v53  }
0xfe: {  	v56 =	vsub.f32 v8, v32;
	v41, _, _ =	vpop (xrf2);
	v49 =	vmul.f32 v49, v16;
	v57 =	vmul.f32 $4.736842220e-02, v58  }
0xff: {  	v48 =	vsub.f32 v48, v2;
	v58 =	vmul.f32 v39, v4;
	v55 =	vmul.f32 v41, v12  }
0x100: {  	(xrf2) =	vadd.scan.msk.f32 $0xffff, v61;
	v39 =	vor.u32 s18, v1;
	v47 =	vsub.f32 v15, v56;
	v46 =	vadd.f32 v57, v46  }
0x101: {  	v30 =	vmovc v17;
	v14 =	vadd.f32 v55, v14;
	v57 =	vsub.f32 v43, v32;
	v54 =	vmul.f32 v35, v18  }
0x102: {  	v43 =	vadd.f32 v49, v40;
	v41 =	vmul.f32 v60, v63;
	v53 =	vmul.f32 v47, v6;
	v51, _, _ =	vpop (xrf2)  }
0x103: {  	v17 =	vmovc v0;
	v46 =	vmul.f32 v46, v0;
	v0 =	vsub.f32 v14, v9;
	v1 =	vmul.f32 v51, v16  }
0x104: {  	v51 =	vsub.f32 v50, v32;
	v35 =	vperm.xlane v14, v7;
	v54 =	vsub.f32 v54, v2  }
0x105: {  	v61 =	vperm.xlane v43, v7;
	v52 =	vsub.f32 v43, v52;
	v9 =	vadd.f32 v14, v9;
	(xrf2) =	vadd.scan.msk.f32 $0xffff, v46  }
0x106: {  	v40 =	vadd.f32 v1, v58;
	v50 =	vmul.f32 v35, v3;
	v46 =	vsub.f32 v54, v51  }
0x107: {  	v14 =	vand.u32 $0x7FFFFFFF, v52;
	v52 =	vld.idx.msk [tilespmem:v39+s16+$0x0], $0xffff;
	v1 =	vmul.f32 v61, v4;
	v58 =	vsub.f32 v41, v32;
	v37, _, _ =	vpop (xrf2)  }
0x108: {  	[tilespmem:$0x1FF20] =	vst v63;
	v61 =	vadd.f32 v56, v15;
	v54 =	vadd.f32 v51, v54;
	v55 =	vmul.f32 v37, v12  }
0x109: {  	v14 =	vmul.f32 $4.736842220e-02, v14;
	(xrf2) =	vadd.scan.msk.f32 $0xffff, v53;
	v53 =	vsub.f32 v48, v57;
	v11 =	vsub.f32 v40, v11  }
0x10a: {  	[tilespmem:$0x1FF30] =	vst v32;
	v63 =	vperm.xlane v40, v7;
	v32, _, _ =	vpop (xrf2);
	v41 =	vmul.f32 v46, v6;
	v50 =	vadd.f32 v55, v50  }
0x10b: {  	v14 =	vadd.f32 v14, v45;
	v35 =	vmul.f32 v32, v16;
	v11 =	vand.u32 $0x7FFFFFFF, v11  }
0x10c: {  	v11 =	vmul.f32 $4.736842220e-02, v11;
	v52 =	vmul.f32 v52, v18;
	v37 =	vadd.f32 v50, v44  }
0x10d: {  	v55 =	vperm.xlane v50, v7;
	v50 =	vsub.f32 v50, v44;
	v44 =	vadd.f32 v35, v1  }
0x10e: {  	v29 =	vmov v19;
	v15 =	vmul.f32 v53, v6;
	v11 =	vadd.f32 v11, v62;
	[tilespmem:v31+s28+$0x0] =	vst.idx.msk $0xffff, v37  }
0x10f: {  	v1 =	vmul.f32 v14, v17;
	v62 =	vsub.f32 v52, v2;
	v10 =	vsub.f32 v44, v10;
	[tilespmem:$0x1FF40] =	vst v2;
	v14, _, _ =	vpop (xrf2)  }
0x110: {  	v19 =	vmov v3;
	v11 =	vmul.f32 v11, v17;
	[tilespmem:v27+s28+$0x0] =	vst.idx.msk $0xffff, v50;
	v14 =	vmul.f32 v14, v12  }
0x111: {  	v32 =	vmov v31;
	v52 =	vadd.f32 v57, v48;
	[tilespmem:v25+s28+$0x0] =	vst.idx.msk $0xffff, v9;
	v9 =	vand.u32 $0x7FFFFFFF, v10;
	v8 =	vld.idx.msk [tilespmem:v31+s17+$0x0], $0xffff  }
0x112: {  	(xrf2) =	vadd.scan.msk.f32 $0xffff, v41;
	v41 =	vmovc v42;
	v2 =	vperm.xlane v44, v7;
	v9 =	vmul.f32 $4.736842220e-02, v9;
	v37 =	vadd.f32 v14, v22  }
0x113: {  	v45 =	vadd.f32 v58, v62;
	v10 =	vmul.f32 v63, v4;
	v60 =	vld.idx.msk [tilespmem:v27+s17+$0x0], $0xffff;
	[tilespmem:v24+s28+$0x0] =	vst.idx.msk $0xffff, v0  }
0x114: {  	v50 =	vmov v13;
	(xrf2) =	vadd.scan.msk.f32 $0xffff, v11;
	v63 =	vmul.f32 v2, v4;
	v14 =	vld.idx.msk [tilespmem:v25+s17+$0x0], $0xffff;
	v9 =	vadd.f32 v9, v33;
	v11, _, _ =	vpop (xrf2)  }
0x115: {  	[tilespmem:$0x1FF50] =	vst v18;
	v11 =	vmul.f32 v11, v16;
	v56 =	vperm.xlane v37, v7;
	v48 =	vadd.f32 v37, v59  }
0x116: {  	s1 =	simm.s32 $0x160;
	s3 =	simm.s32 $0x8;
	(xrf2) =	vadd.scan.msk.f32 $0xffff, v1;
	v49 =	vsub.f32 v37, v59;
	v57 =	vmul.f32 v8, v18;
	v8 =	vld.idx.msk [tilespmem:v24+s17+$0x0], $0xffff;
	v37 =	vmov v13  }
.LBB2_4:
0x117: {  	v0 =	vld [tilespmem:$0x1FEF0]  }
0x118: {  	v2 =	vld [tilespmem:$0x1FFF0]  }
0x119: {  	v1 =	vld [tilespmem:$0x1FFE0]  }
0x11a: {  	v35 =	vld [tilespmem:$0x1FF50]  }
0x11b: {  	v33 =	vmov v29;
	v18 =	vld [tilespmem:$0x1FF20]  }
0x11c: {  	v31 =	vld [tilespmem:$0x1FF40];
	_ =	sdelay $0x1  }
0x11d: {  	v59 =	vmovc v42;
	s18 =	sadd.s32 $0xFFFFFFE0, s1;
	v29 =	vmov v25;
	v9 =	vmul.f32 v9, v17;
	[tilespmem:$0x1FEF0] =	vst v33;
	v33 =	vmov v26;
	v26 =	vld [tilespmem:$0x1FF30]  }
0x11e: {  	v25 =	vmovc v34;
	(xrf2) =	vadd.scan.msk.f32 $0xffff, v15;
	v15 =	vmul.f32 v56, v19;
	v51 =	vadd.f32 v11, v10;
	v42 =	vor.u32 s18, v2  }
0x11f: {  	v22 =	vld [tilespmem:$0x1FFD0];
	v10 =	vsub.f32 v62, v58;
	v11 =	vmul.f32 v14, v35;
	[tilespmem:v0+s29+$0x0] =	vst.idx.msk $0xffff, v48;
	v48 =	vor.u32 s18, v1  }
0x120: {  	v34 =	vmovc v30;
	v14 =	vmul.f32 v55, v19;
	v8 =	vmul.f32 v8, v18;
	v57 =	vsub.f32 v57, v31  }
0x121: {  	v13 =	vor.u32 s1, v2;
	v56, _, _ =	vpop (xrf2);
	(xrf2) =	vadd.scan.msk.f32 $0xffff, v9;
	v9 =	vsub.f32 v51, v47;
	v11 =	vsub.f32 v11, v31  }
0x122: {  	v5 =	vimm.s32 $0xF;
	v30 =	vmovc v42;
	v47 =	vperm.xlane v51, v7;
	v8 =	vsub.f32 v8, v26;
	[tilespmem:v21+s29+$0x0] =	vst.idx.msk $0xffff, v49  }
0x123: {  	v62, _, _ =	vpop (xrf2);
	v56 =	vmul.f32 v56, v16;
	v49 =	vmul.f32 v10, v6;
	v9 =	vand.u32 $0x7FFFFFFF, v9;
	v12 =	vld.idx.msk [tilespmem:v42+s16+$0x0], $0xffff  }
0x124: {  	v55 =	vmul.f32 v62, v22;
	v62 =	vmul.f32 v47, v4;
	v21 =	vmovc v23;
	v42 =	vor.u32 s1, v1;
	v58 =	vld.idx.msk [tilespmem:v48+s16+$0x0], $0xffff  }
0x125: {  	v23 =	vmov v24;
	v24 =	vmov v20;
	v1, _, _ =	vpop (xrf2);
	v9 =	vmul.f32 $4.736842220e-02, v9  }
0x126: {  	v20 =	vmovc v38;
	v47 =	vsub.f32 v11, v8;
	v56 =	vadd.f32 v56, v63;
	v3 =	vmul.f32 v1, v22  }
0x127: {  	v38 =	vmovc v48;
	v15 =	vadd.f32 v55, v15;
	v55 =	vmul.f32 v60, v18;
	v9 =	vadd.f32 v9, v61  }
0x128: {  	(xrf2) =	vadd.scan.msk.f32 $0xffff, v49;
	v1 =	vsub.f32 v56, v46;
	v48 =	vmul.f32 v47, v6;
	v3 =	vadd.f32 v3, v14  }
0x129: {  	v14, _, _ =	vpop (xrf2);
	v60 =	vperm.xlane v15, v7;
	v7 =	vsub.f32 v55, v26;
	v55 =	vmul.f32 v58, v18;
	v58 =	vld.idx.msk [tilespmem:v42+s16+$0x0], $0xffff  }
0x12a: {  	v49 =	vsub.f32 v15, v40;
	v14 =	vmul.f32 v14, v16;
	v1 =	vand.u32 $0x7FFFFFFF, v1  }
0x12b: {  	v15 =	vadd.f32 v15, v40;
	v9 =	vmul.f32 v9, v17;
	v1 =	vmul.f32 $4.736842220e-02, v1  }
0x12c: {  	v0 =	vsub.f32 v3, v43;
	v12 =	vmul.f32 v12, v35;
	v40 =	vadd.f32 v14, v62  }
0x12d: {  	v62 =	vperm.xlane v56, v5;
	v61, _, _ =	vpop (xrf2);
	(xrf2) =	vadd.scan.msk.f32 $0xffff, v9;
	v1 =	vadd.f32 v1, v54;
	v63 =	vsub.f32 v55, v26  }
0x12e: {  	v55 =	vperm.xlane v3, v5;
	v3 =	vadd.f32 v3, v43;
	v43 =	vmovc v56;
	v56 =	vmul.f32 v58, v18;
	v18 =	vld [tilespmem:$0x1FF00]  }
0x12f: {  	v61 =	vmul.f32 v61, v22;
	v9 =	vmul.f32 v62, v4;
	v53 =	vsub.f32 v40, v53  }
0x130: {  	v12 =	vsub.f32 v12, v31;
	v2 =	vperm.xlane v40, v5;
	v4 =	vmul.f32 v60, v19  }
0x131: {  	v14 =	vld.idx.msk [tilespmem:v13+s16+$0x0], $0xffff;
	v1 =	vmul.f32 v1, v17;
	v53 =	vand.u32 $0x7FFFFFFF, v53;
	v55 =	vmul.f32 v55, v19  }
0x132: {  	[tilespmem:v33+s29+$0x0] =	vst.idx.msk $0xffff, v15;
	v15, _, _ =	vpop (xrf2);
	v54 =	vmul.f32 $4.736842220e-02, v53;
	v53 =	vsub.f32 v57, v7;
	v46 =	vsub.f32 v12, v63  }
0x133: {  	(xrf2) =	vadd.scan.msk.f32 $0xffff, v48;
	v15 =	vmul.f32 v15, v16;
	[tilespmem:v25+s28+$0x0] =	vst.idx.msk $0xffff, v3;
	v61 =	vadd.f32 v61, v55  }
0x134: {  	[tilespmem:v24+s28+$0x0] =	vst.idx.msk $0xffff, v0;
	v58 =	vsub.f32 v56, v26;
	v26 =	vmul.f32 v46, v6  }
0x135: {  	v55 =	vperm.xlane v61, v5;
	v33 =	vadd.f32 v61, v44;
	v56 =	vsub.f32 v61, v44  }
0x136: {  	v44 =	vadd.f32 v15, v9;
	v9 =	vadd.f32 v54, v52;
	[tilespmem:v18+s29+$0x0] =	vst.idx.msk $0xffff, v49;
	v18 =	vmov v28  }
0x137: {  	v15 =	vmul.f32 v53, v6;
	v61 =	vadd.f32 v8, v11;
	v52 =	vadd.f32 v7, v57;
	v8 =	vld [tilespmem:$0x1FF10];
	[tilespmem:$0x1FF00] =	vst v18  }
0x138: {  	v10 =	vsub.f32 v44, v10;
	v18 =	vmul.f32 v14, v35;
	[tilespmem:v36+s28+$0x0] =	vst.idx.msk $0xffff, v33;
	v14, _, _ =	vpop (xrf2)  }
0x139: {  	v54 =	vadd.f32 v63, v12;
	[tilespmem:v50+s28+$0x0] =	vst.idx.msk $0xffff, v56;
	v14 =	vmul.f32 v14, v22  }
0x13a: {  	s3 =	sadd.s32 $0x2, s3;
	(xrf2) =	vadd.scan.msk.f32 $0xffff, v26;
	v9 =	vmul.f32 v9, v17;
	v10 =	vand.u32 $0x7FFFFFFF, v10;
	v28 =	vmovc v27;
	v27 =	vmov v37;
	v48 =	vld.idx.msk [tilespmem:v36+s17+$0x0], $0xffff  }
0x13b: {  	p0 =	slt.u32 s3, $0x7E;
	v37 =	vmovc v41;
	v41 =	vmovc v42;
	v49 =	vperm.xlane v44, v5;
	v3 =	vmul.f32 $4.736842220e-02, v10;
	v0 =	vadd.f32 v14, v4;
	v4 =	vld [tilespmem:$0x1FF60]  }
.Ltmp1:
0x13c: {  	v26 =	vmovc v8;
	v8 =	vmov v32;
	v32 =	vmov v36;
	(xrf2) =	vadd.scan.msk.f32 $0xffff, v9;
	v62 =	vsub.f32 v18, v31;
	(pc) =	sbr.rel @p0 .LBB2_4-.Ltmp1, $4  }
0x13d: {  	[tilespmem:$0x1FF10] =	vst v8;
	v8 =	vld.idx.msk [tilespmem:v24+s17+$0x0], $0xffff;
	v50 =	vmov v59;
	v9 =	vadd.f32 v3, v45;
	(xrf2) =	vadd.scan.msk.f32 $0xffff, v1;
	v59, _, _ =	vpop (xrf2)  }
0x13e: {  	v7 =	vimm.s32 $0xF;
	v36 =	vmovc v39;
	v39 =	vmovc v13;
	v11 =	vmul.f32 v59, v16;
	v14 =	vld.idx.msk [tilespmem:v25+s17+$0x0], $0xffff;
	v5 =	vadd.f32 v58, v62  }
0x13f: {  	v60 =	vld.idx.msk [tilespmem:v27+s17+$0x0], $0xffff;
	v56 =	vperm.xlane v0, v7;
	v57 =	vmul.f32 v48, v35;
	v48 =	vadd.f32 v0, v51  }
0x140: {  	s1 =	sadd.s32 $0x40, s1;
	v45 =	vmovc v5;
	v10 =	vmul.f32 v2, v4;
	v63 =	vmul.f32 v49, v4;
	v49 =	vsub.f32 v0, v51  }
0x141: {  	(xrf2) =	vadd.scan.msk.f32 $0xffff, v15;
	_ =	sdelay $0x5  }
0x142: {  	v51 =	vadd.f32 v11, v10;
	v0, _, _ =	vpop (xrf2)  }
0x143: {  	v18 =	vld [tilespmem:$0x1FF50];
	v0 =	vmul.f32 v0, v16  }
0x144: {  	v33 =	vld [tilespmem:$0x1FF20];
	v1 =	vperm.xlane v51, v7;
	v31, _, _ =	vpop (xrf2)  }
0x145: {  	v2, _, _ =	vpop (xrf2);
	v0 =	vadd.f32 v0, v63;
	v63 =	vld [tilespmem:$0x1FF40]  }
0x146: {  	v59 =	vld [tilespmem:$0x1FF30];
	v3 =	vsub.f32 v51, v47;
	v47 =	vmov v4;
	v1 =	vmul.f32 v1, v4;
	v4, _, _ =	vpop (xrf2)  }
0x147: {  	v4 =	vmul.f32 v4, v16  }
0x148: {  	v5 =	vsub.f32 v62, v58;
	v7 =	vmul.f32 v14, v18  }
0x149: {  	v8 =	vmul.f32 v8, v33;
	v3 =	vand.u32 $0x7FFFFFFF, v3;
	v58 =	vadd.f32 v4, v1  }
0x14a: {  	v1 =	vmul.f32 $4.736842220e-02, v3;
	v3 =	vmul.f32 v9, v17;
	v4 =	vsub.f32 v7, v63  }
0x14b: {  	v7 =	vsub.f32 v8, v59;
	v8 =	vmul.f32 v5, v6;
	v53 =	vsub.f32 v58, v53  }
0x14c: {  	(xrf2) =	vadd.scan.msk.f32 $0xffff, v3  }
0x14d: {  	v1 =	vadd.f32 v1, v61;
	(xrf2) =	vadd.scan.msk.f32 $0xffff, v8;
	v8 =	vand.u32 $0x7FFFFFFF, v53  }
0x14e: {  	v3 =	vsub.f32 v4, v7;
	v61 =	vsub.f32 v0, v46;
	v8 =	vmul.f32 $4.736842220e-02, v8  }
0x14f: {  	v22 =	vmul.f32 v60, v33;
	v1 =	vmul.f32 v1, v17  }
0x150: {  	v35 =	vmul.f32 v3, v6;
	v10 =	vand.u32 $0x7FFFFFFF, v61;
	v8 =	vadd.f32 v8, v52;
	v52 =	vld [tilespmem:$0x1FFD0]  }
0x151: {  	(xrf2) =	vadd.scan.msk.f32 $0xffff, v1;
	v1 =	vmul.f32 $4.736842220e-02, v10  }
0x152: {  	v11 =	vsub.f32 v22, v59;
	(xrf2) =	vadd.scan.msk.f32 $0xffff, v35  }
0x153: {  	v10 =	vsub.f32 v57, v63;
	v1 =	vadd.f32 v1, v54  }
0x154: {  	v46 =	vmul.f32 v55, v19;
	v8 =	vmul.f32 v8, v17  }
0x155: {  	v12 =	vsub.f32 v10, v11;
	v1 =	vmul.f32 v1, v17;
	v2 =	vmul.f32 v2, v52;
	_ =	sdelay $0x1  }
0x156: {  	v62 =	vimm.s32 $0xF;
	v55 =	vmul.f32 v12, v6;
	(xrf2) =	vadd.scan.msk.f32 $0xffff, v8;
	v2 =	vadd.f32 v2, v46  }
0x157: {  	v13 =	vperm.xlane v0, v62;
	(xrf2) =	vadd.scan.msk.f32 $0xffff, v1  }
0x158: {  	v1, _, _ =	vpop (xrf2);
	(xrf2) =	vadd.scan.msk.f32 $0xffff, v55;
	v8 =	vperm.xlane v2, v62;
	v14 =	vadd.f32 v2, v43  }
0x159: {  	v13 =	vmul.f32 v13, v47;
	v57, _, _ =	vpop (xrf2);
	v1 =	vmul.f32 v1, v52;
	v2 =	vsub.f32 v2, v43  }
0x15a: {  	v9 =	vmul.f32 v57, v16;
	v15, _, _ =	vpop (xrf2);
	v8 =	vmul.f32 v8, v19;
	[tilespmem:v34+s28+$0x0] =	vst.idx.msk $0xffff, v14  }
0x15b: {  	v60, _, _ =	vpop (xrf2);
	v14 =	vperm.xlane v58, v62;
	[tilespmem:v20+s28+$0x0] =	vst.idx.msk $0xffff, v2  }
0x15c: {  	v2 =	vadd.f32 v9, v13;
	v9 =	vmul.f32 v60, v16;
	v1 =	vadd.f32 v1, v8;
	v8 =	vld.idx.msk [tilespmem:v34+s17+$0x0], $0xffff  }
0x15d: {  	v13 =	vld.idx.msk [tilespmem:v20+s17+$0x0], $0xffff;
	v14 =	vmul.f32 v14, v47  }
0x15e: {  	v5 =	vsub.f32 v2, v5;
	v61 =	vadd.f32 v1, v44  }
0x15f: {  	v22 =	vsub.f32 v1, v44;
	v43 =	vadd.f32 v9, v14  }
0x160: {  	v5 =	vand.u32 $0x7FFFFFFF, v5;
	v9, _, _ =	vpop (xrf2);
	[tilespmem:v36+s28+$0x0] =	vst.idx.msk $0xffff, v61  }
0x161: {  	v5 =	vmul.f32 $4.736842220e-02, v5;
	v3 =	vsub.f32 v43, v3;
	v14 =	vperm.xlane v43, v62;
	v35, _, _ =	vpop (xrf2);
	[tilespmem:v50+s28+$0x0] =	vst.idx.msk $0xffff, v22  }
0x162: {  	v4 =	vadd.f32 v7, v4;
	v7 =	vmul.f32 v8, v18;
	v8 =	vmul.f32 v13, v33;
	v13, _, _ =	vpop (xrf2);
	v50 =	vld.idx.msk [tilespmem:v36+s17+$0x0], $0xffff  }
0x163: {  	v3 =	vand.u32 $0x7FFFFFFF, v3;
	v14 =	vmul.f32 v14, v47;
	v13 =	vmul.f32 v13, v16;
	v53 =	vld.idx.msk [tilespmem:v37+s17+$0x0], $0xffff  }
0x164: {  	v5 =	vadd.f32 v5, v45;
	v7 =	vsub.f32 v7, v63;
	v3 =	vmul.f32 $4.736842220e-02, v3  }
0x165: {  	v8 =	vsub.f32 v8, v59;
	v44 =	vadd.f32 v13, v14  }
0x166: {  	v5 =	vmul.f32 v5, v17;
	v3 =	vadd.f32 v3, v4  }
0x167: {  	v4 =	vsub.f32 v7, v8;
	v12 =	vsub.f32 v44, v12;
	v13 =	vmul.f32 v50, v18  }
0x168: {  	(xrf2) =	vadd.scan.msk.f32 $0xffff, v5;
	v3 =	vmul.f32 v3, v17;
	v14 =	vmul.f32 v53, v33  }
0x169: {  	v1 =	vperm.xlane v1, v62;
	v5 =	vmul.f32 v4, v6;
	v12 =	vand.u32 $0x7FFFFFFF, v12  }
0x16a: {  	(xrf2) =	vadd.scan.msk.f32 $0xffff, v3;
	v3 =	vmul.f32 $4.736842220e-02, v12;
	v54 =	vsub.f32 v14, v59;
	v12 =	vsub.f32 v13, v63  }
0x16b: {  	v10 =	vadd.f32 v11, v10  }
0x16c: {  	v1 =	vmul.f32 v1, v19;
	(xrf2) =	vadd.scan.msk.f32 $0xffff, v5;
	v5 =	vmul.f32 v35, v52;
	v55 =	vsub.f32 v12, v54  }
0x16d: {  	v3 =	vadd.f32 v3, v10  }
0x16e: {  	v1 =	vadd.f32 v5, v1;
	v5 =	vmul.f32 v55, v6  }
0x16f: {  	v3 =	vmul.f32 v3, v17;
	_ =	sdelay $0x1  }
0x170: {  	(xrf2) =	vadd.scan.msk.f32 $0xffff, v3;
	v3 =	vadd.f32 v1, v0;
	v0 =	vsub.f32 v1, v0;
	v1 =	vperm.xlane v1, v62  }
0x171: {  	(xrf2) =	vadd.scan.msk.f32 $0xffff, v5;
	v5, _, _ =	vpop (xrf2)  }
0x172: {  	v1 =	vmul.f32 v1, v19;
	v5 =	vmul.f32 v5, v52  }
0x173: {  	v14 =	vmul.f32 v31, v52;
	[tilespmem:v30+s28+$0x0] =	vst.idx.msk $0xffff, v3;
	v3 =	vperm.xlane v44, v62  }
0x174: {  	[tilespmem:v38+s28+$0x0] =	vst.idx.msk $0xffff, v0;
	v0 =	vmul.f32 v56, v19;
	v13, _, _ =	vpop (xrf2);
	v1 =	vadd.f32 v5, v1  }
0x175: {  	v56 =	vld.idx.msk [tilespmem:v30+s17+$0x0], $0xffff;
	v3 =	vmul.f32 v3, v47;
	v57, _, _ =	vpop (xrf2)  }
0x176: {  	v5 =	vld.idx.msk [tilespmem:v38+s17+$0x0], $0xffff;
	v0 =	vadd.f32 v14, v0;
	v46 =	vmul.f32 v57, v16;
	v14 =	vadd.f32 v1, v2;
	_ =	sdelay $0x1  }
0x177: {  	v3 =	vadd.f32 v46, v3  }
0x178: {  	v7 =	vadd.f32 v8, v7;
	v1 =	vsub.f32 v1, v2  }
0x179: {  	[tilespmem:v39+s28+$0x0] =	vst.idx.msk $0xffff, v14;
	v2 =	vsub.f32 v3, v4;
	v4 =	vperm.xlane v3, v62;
	v14, _, _ =	vpop (xrf2)  }
0x17a: {  	[tilespmem:v42+s28+$0x0] =	vst.idx.msk $0xffff, v1;
	v1 =	vmul.f32 v56, v18;
	v5 =	vmul.f32 v5, v33;
	v61, _, _ =	vpop (xrf2)  }
0x17b: {  	v22 =	vld.idx.msk [tilespmem:v39+s17+$0x0], $0xffff;
	v2 =	vand.u32 $0x7FFFFFFF, v2;
	v4 =	vmul.f32 v4, v47;
	v42 =	vmul.f32 v61, v16  }
0x17c: {  	v60 =	vperm.xlane v0, v62;
	v31 =	vld.idx.msk [tilespmem:v41+s17+$0x0], $0xffff;
	v1 =	vsub.f32 v1, v63;
	v2 =	vmul.f32 $4.736842220e-02, v2  }
0x17d: {  	v5 =	vsub.f32 v5, v59;
	v4 =	vadd.f32 v42, v4  }
0x17e: {  	v8 =	vmul.f32 v60, v19;
	v2 =	vadd.f32 v2, v7  }
0x17f: {  	v7 =	vmul.f32 v15, v52;
	v15 =	vsub.f32 v1, v5;
	v10 =	vsub.f32 v4, v55  }
0x180: {  	v45 =	vmul.f32 v22, v18;
	v2 =	vmul.f32 v2, v17  }
0x181: {  	v46 =	vmul.f32 v31, v33;
	v35 =	vmul.f32 v15, v6;
	v10 =	vand.u32 $0x7FFFFFFF, v10  }
0x182: {  	v7 =	vadd.f32 v7, v8;
	v8 =	vadd.f32 v54, v12;
	(xrf2) =	vadd.scan.msk.f32 $0xffff, v2;
	v2 =	vmul.f32 $4.736842220e-02, v10  }
0x183: {  	v50 =	vsub.f32 v46, v59;
	v53 =	vsub.f32 v45, v63;
	(xrf2) =	vadd.scan.msk.f32 $0xffff, v35  }
0x184: {  	v2 =	vadd.f32 v2, v8  }
0x185: {  	v12 =	vperm.xlane v7, v62;
	v8 =	vsub.f32 v53, v50  }
0x186: {  	v9 =	vmul.f32 v9, v52;
	v2 =	vmul.f32 v2, v17  }
0x187: {  	v12 =	vmul.f32 v12, v19;
	v54 =	vmul.f32 v8, v6  }
0x188: {  	(xrf2) =	vadd.scan.msk.f32 $0xffff, v2  }
0x189: {  	v2 =	vadd.f32 v9, v12;
	(xrf2) =	vadd.scan.msk.f32 $0xffff, v54;
	_ =	sdelay $0x1  }
0x18a: {  	v9 =	vperm.xlane v2, v62  }
0x18b: {  	v12 =	vperm.xlane v4, v62;
	v55, _, _ =	vpop (xrf2)  }
0x18c: {  	v13 =	vmul.f32 v13, v52;
	v9 =	vmul.f32 v9, v19;
	v56, _, _ =	vpop (xrf2)  }
0x18d: {  	v12 =	vmul.f32 v12, v47;
	v31 =	vmul.f32 v56, v16  }
0x18e: {  	v9 =	vadd.f32 v13, v9  }
0x18f: {  	v12 =	vadd.f32 v31, v12  }
0x190: {  	v13 =	vperm.xlane v9, v62  }
0x191: {  	v15 =	vsub.f32 v12, v15;
	v57 =	vperm.xlane v12, v62;
	v59, _, _ =	vpop (xrf2)  }
0x192: {  	v14 =	vmul.f32 v14, v52;
	v13 =	vmul.f32 v13, v19;
	v60, _, _ =	vpop (xrf2)  }
0x193: {  	v15 =	vand.u32 $0x7FFFFFFF, v15;
	v45 =	vmul.f32 v57, v47;
	v46 =	vmul.f32 v60, v16  }
0x194: {  	v1 =	vadd.f32 v5, v1;
	v5 =	vmul.f32 $4.736842220e-02, v15  }
0x195: {  	v13 =	vadd.f32 v14, v13;
	v14 =	vadd.f32 v46, v45  }
0x196: {  	v1 =	vadd.f32 v5, v1  }
0x197: {  	v8 =	vsub.f32 v14, v8  }
0x198: {  	v1 =	vmul.f32 v1, v17  }
0x199: {  	v8 =	vand.u32 $0x7FFFFFFF, v8  }
0x19a: {  	(xrf2) =	vadd.scan.msk.f32 $0xffff, v1;
	v1 =	vmul.f32 $4.736842220e-02, v8;
	v8 =	vld [tilespmem:$0x1FEF0];
	_ =	sdelay $0x6  }
0x19b: {  	v5 =	vperm.xlane v13, v62  }
0x19c: {  	[tilespmem:v8+s29+$0x0] =	vst.idx.msk $0xffff, v48;
	v8 =	vadd.f32 v0, v40  }
0x19d: {  	v15 =	vmul.f32 v55, v52;
	v5 =	vmul.f32 v5, v19;
	[tilespmem:v21+s29+$0x0] =	vst.idx.msk $0xffff, v49  }
0x19e: {  	[tilespmem:v26+s29+$0x0] =	vst.idx.msk $0xffff, v8  }
0x19f: {  	v5 =	vadd.f32 v15, v5;
	v15 =	vld [tilespmem:$0x1FF00];
	_ =	sdelay $0x4  }
0x1a0: {  	v10 =	vadd.f32 v50, v53  }
0x1a1: {  	v0 =	vsub.f32 v0, v40  }
0x1a2: {  	v1 =	vadd.f32 v1, v10;
	v8 =	vadd.f32 v7, v51  }
0x1a3: {  	[tilespmem:v15+s29+$0x0] =	vst.idx.msk $0xffff, v0;
	v0 =	vsub.f32 v7, v51  }
0x1a4: {  	v1 =	vmul.f32 v1, v17;
	[tilespmem:v29+s29+$0x0] =	vst.idx.msk $0xffff, v8  }
0x1a5: {  	[tilespmem:v23+s29+$0x0] =	vst.idx.msk $0xffff, v0  }
0x1a6: {  	(xrf2) =	vadd.scan.msk.f32 $0xffff, v1;
	v1 =	vadd.f32 v2, v58;
	v0 =	vsub.f32 v2, v58;
	v2 =	vld [tilespmem:$0x1FF10];
	_ =	sdelay $0x3  }
0x1a7: {  	v61 =	vperm.xlane v5, v62;
	_ =	sdelay $0x1  }
0x1a8: {  	v63 =	vmul.f32 v59, v52;
	v10 =	vmul.f32 v61, v19;
	_ =	sdelay $0x1  }
0x1a9: {  	v7 =	vadd.f32 v63, v10;
	[tilespmem:v2+s29+$0x0] =	vst.idx.msk $0xffff, v1  }
0x1aa: {  	[tilespmem:v28+s29+$0x0] =	vst.idx.msk $0xffff, v0;
	v0 =	vadd.f32 v9, v43  }
0x1ab: {  	v1 =	vperm.xlane v7, v62  }
0x1ac: {  	v2, _, _ =	vpop (xrf2);
	[tilespmem:v25+s29+$0x0] =	vst.idx.msk $0xffff, v0;
	v0 =	vadd.f32 v13, v44  }
0x1ad: {  	v2 =	vmul.f32 v2, v52;
	v1 =	vmul.f32 v1, v19  }
0x1ae: {  	[tilespmem:v32+s29+$0x0] =	vst.idx.msk $0xffff, v0;
	v0 =	vadd.f32 v5, v3  }
0x1af: {  	v8 =	vsub.f32 v9, v43;
	v1 =	vadd.f32 v2, v1;
	_ =	sdelay $0x1  }
0x1b0: {  	[tilespmem:v24+s29+$0x0] =	vst.idx.msk $0xffff, v8;
	v8 =	vsub.f32 v13, v44;
	v2 =	vperm.xlane v1, v62  }
0x1b1: {  	v3 =	vsub.f32 v5, v3;
	v5 =	vadd.f32 v7, v4;
	[tilespmem:v34+s29+$0x0] =	vst.idx.msk $0xffff, v0;
	v0, _, _ =	vpop (xrf2)  }
0x1b2: {  	[tilespmem:v27+s29+$0x0] =	vst.idx.msk $0xffff, v8;
	v2 =	vmul.f32 v2, v19;
	v0 =	vmul.f32 v0, v52  }
0x1b3: {  	[tilespmem:v20+s29+$0x0] =	vst.idx.msk $0xffff, v3;
	v3 =	vsub.f32 v7, v4  }
0x1b4: {  	[tilespmem:v36+s29+$0x0] =	vst.idx.msk $0xffff, v5;
	v4 =	vadd.f32 v1, v12;
	v0 =	vadd.f32 v0, v2  }
0x1b5: {  	v1 =	vsub.f32 v1, v12;
	[tilespmem:v37+s29+$0x0] =	vst.idx.msk $0xffff, v3  }
0x1b6: {  	[tilespmem:v30+s29+$0x0] =	vst.idx.msk $0xffff, v4;
	v2 =	vadd.f32 v0, v14  }
0x1b7: {  	[tilespmem:v38+s29+$0x0] =	vst.idx.msk $0xffff, v1;
	v0 =	vsub.f32 v0, v14  }
0x1b8: {  	[tilespmem:v39+s29+$0x0] =	vst.idx.msk $0xffff, v2  }
0x1b9: {  	[tilespmem:v41+s29+$0x0] =	vst.idx.msk $0xffff, v0  }
0x1ba: {  	[hbm4b:s11+s14] =	stream.strided.scatter [tilespmem:s28], [sflag:$0x4], $0x1000, s15, s14, $0x38;
	[tilespmem:$0x88A0] =	vst v63  }
0x1bb: {  	_ = 	snop  }
0x1bc: {  	[hbm4b:s12+s14] =	stream.strided.scatter [tilespmem:s29], [sflag:$0x5], $0x1000, s15, s14, $0x38;
	[tilespmem:$0x88A0] =	vst v63  }
0x1bd: {  	_ =	swait.ge [sflag:s30], $0x1000  }
0x1be: {  	[sflag:s30] =	ssyncset.done $0x0  }
0x1bf: {  	[sflag:s30] =	ssyncadd.s32 $0xFFFFF000  }
0x1c0: {  	_ =	swait.ge [sflag:s31], $0x1000  }
0x1c1: {  	v1 =	vld [tilespmem:$0x1FFF0]  }
0x1c2: {  	s0 =	sadd.s32 $0x1, s0;
	v4 =	vld [tilespmem:$0x1FF70]  }
0x1c3: {  	p0 =	sne.s32 s0, s13;
	v33 =	vld [tilespmem:$0x1FFB0]  }
.Ltmp2:
0x1c4: {  	v34 =	vld [tilespmem:$0x1FFC0];
	(pc) =	sbr.rel @p0 .LBB2_1-.Ltmp2, $4  }
0x1c5: {  	v12 =	vld [tilespmem:$0x1FF90]  }
0x1c6: {  	v5 =	vld [tilespmem:$0x1FFE0]  }
0x1c7: {  	[sflag:s31] =	ssyncset.done $0x0;
	v7 =	vld [tilespmem:$0x1FF80]  }
0x1c8: {  	v3 =	vmov v19;
	v0 =	vmov v17;
	v13 =	vld [tilespmem:$0x1FFA0];
	[sflag:s31] =	ssyncadd.s32 $0xFFFFF000  }
0x1c9: {  	_ =	sfence.sel $0x180000  }
0x1ca: {  	[bflag:$0x0] =	sbarrier.arrive $0xFFFF  }
0x1cb: {  	_ =	strace $0x90000047  }
0x1cc: {  	s0 =	stileid.u32;
	[bflag:$0x2] =	sbarrier.arrive $0xFFFF  }
0x1cd: {  	p0 =	sne.s32 s0, $0x0;
	s0 =	rddreg [dreg:$0x3]  }
0x1ce: {  	s0 =	sadd.s32 @!p0 $0x100000, s0  }
0x1cf: {  	[sflag:s0] =	ssyncadd.tile.s32 @!p0 $0x1;
	_ =	shalt  }
.Lfunc_end2:
_tile_overlayer_lowered:
.L_overlay_start_2:
0x1d0: {  	(tag) =	ssettag $0x2  }
0x1d1: {  	s0 =	rddreg [dreg:$0x0];
	s2 =	stileid.u32  }
0x1d2: {  	s1 =	rddreg [dreg:$0x1];
	p0 =	sne.s32 s2, $0x0  }
0x1d3: {  	s3 =	rddreg [dreg:$0x2];
	[bflag:$0x3] =	sbarrier.arrive $0xFFFF;
	s2 =	simm.s32 @!p0 $0x1C06  }
0x1d4: {  	[timem:s3], [sflag:s2] =	dma.local @!p0 [hbm:s0], s1  }
0x1d5: {  	s0 =	simm.s32 @!p0 $0x6  }
0x1d6: {  	_ =	swait.ge @!p0 [sflag:s0], s1  }
0x1d7: {  	s1 =	ssub.s32 @!p0 $0x0, s1;
	[sflag:s0] =	ssyncset.done @!p0 $0x0  }
0x1d8: {  	[sflag:s0] =	ssyncadd.s32 @!p0 s1  }
0x1d9: {  	[bflag:$0x3] =	sbarrier.arrive $0xFFFF  }
0x1da: {  	_ =	shalt  }

</sc_bundles>
